<compile_context>
chip_gen: v7x
topology: tpu7x:2x2x1
jax: 0.10.2.dev20260603
libtpu: 0.0.44.dev20260713+nightly
codegen_flags: <defaults>
</compile_context>

<pallas_src>
import math

import jax
import jax.numpy as jnp
import numpy as np
from jax.experimental import pallas as pl

S = 2048
H = 768
NH = 12
NKV = 4
HD = 64
HALF = HD // 2
I = 768
E = 64
THETA = 150000.0
EPS = 1e-6
BLK = 256
GRID = S // BLK
REP = NH // NKV
Q_SIZE = NH * HD
KV_SIZE = NKV * HD


def _rope_perm() -> np.ndarray:
    perm = []
    for half in range(2):
        for h in range(NH):
            for j in range(HALF):
                perm.append(h * HD + half * HALF + j)
    for half in range(2):
        for g in range(NKV):
            for j in range(HALF):
                perm.append(Q_SIZE + g * HD + half * HALF + j)
    perm.extend(range(Q_SIZE + KV_SIZE, Q_SIZE + 2 * KV_SIZE))
    return np.asarray(perm, dtype=np.int32)


_PERM = _rope_perm()
_NEG = -1e30


def _stage1_body(pos_ref, hid_ref, res_ref, w_ref, b_ref, ln_ref,
                 q_out, k_out, v_out, r1_out):
    x = hid_ref[...] + res_ref[...]
    r1_out[...] = x
    ms = jnp.mean(x * x, axis=1, keepdims=True)
    h = x * jax.lax.rsqrt(ms + EPS) * ln_ref[...]
    qkv = jnp.dot(h.astype(jnp.bfloat16), w_ref[...],
                  preferred_element_type=jnp.float32) + b_ref[...]

    pos = pos_ref[...]
    jq = jax.lax.rem(jax.lax.broadcasted_iota(jnp.int32, (1, NH * HALF), 1),
                     HALF).astype(jnp.float32)
    inv_freq = jnp.exp(jq * (-math.log(THETA) / HALF))
    f = pos * inv_freq
    cos_q = jnp.cos(f)
    sin_q = jnp.sin(f)
    cos_k = cos_q[:, :NKV * HALF]
    sin_k = sin_q[:, :NKV * HALF]

    q1 = qkv[:, :NH * HALF]
    q2 = qkv[:, NH * HALF:Q_SIZE]
    k1 = qkv[:, Q_SIZE:Q_SIZE + NKV * HALF]
    k2 = qkv[:, Q_SIZE + NKV * HALF:Q_SIZE + KV_SIZE]
    v = qkv[:, Q_SIZE + KV_SIZE:]

    q_out[...] = jnp.concatenate(
        [q1 * cos_q - q2 * sin_q, q2 * cos_q + q1 * sin_q],
        axis=1).astype(jnp.bfloat16)
    k_out[...] = jnp.concatenate(
        [k1 * cos_k - k2 * sin_k, k2 * cos_k + k1 * sin_k],
        axis=1).astype(jnp.bfloat16)
    v_out[...] = v.astype(jnp.bfloat16)


def _stage2_body(q_ref, k_ref, v_ref, r1_ref, wo_ref, bo_ref, ln2_ref,
                 wr_ref, br_ref, wgu_ref, bgu_ref, wd_ref, bd_ref,
                 out_ref, r2_out):
    i = pl.program_id(0)
    q0 = i * BLK
    scale = HD ** -0.5

    row = jax.lax.rem(
        jax.lax.broadcasted_iota(jnp.int32, (REP * BLK, 1), 0), BLK)
    col = jax.lax.broadcasted_iota(jnp.int32, (1, S), 1)
    mask = col <= (q0 + row)

    o_cols = []
    for g in range(NKV):
        k_g = jnp.concatenate(
            [k_ref[:, g * HALF:(g + 1) * HALF],
             k_ref[:, NKV * HALF + g * HALF:NKV * HALF + (g + 1) * HALF]],
            axis=1)
        v_g = v_ref[:, g * HD:(g + 1) * HD]
        qs = []
        for hh in range(REP):
            h = g * REP + hh
            qs.append(jnp.concatenate(
                [q_ref[:, h * HALF:(h + 1) * HALF],
                 q_ref[:, NH * HALF + h * HALF:NH * HALF + (h + 1) * HALF]],
                axis=1))
        q_g = jnp.concatenate(qs, axis=0)
        s = jax.lax.dot_general(
            q_g, k_g, (((1,), (1,)), ((), ())),
            preferred_element_type=jnp.float32) * scale
        s = jnp.where(mask, s, _NEG)
        m = jnp.max(s, axis=1, keepdims=True)
        p = jnp.exp(s - m)
        l = jnp.sum(p, axis=1, keepdims=True)
        o_g = jnp.dot(p.astype(jnp.bfloat16), v_g,
                      preferred_element_type=jnp.float32) / l
        for hh in range(REP):
            o_cols.append(o_g[hh * BLK:(hh + 1) * BLK, :])
    o = jnp.concatenate(o_cols, axis=1).astype(jnp.bfloat16)

    attn = jnp.dot(o, wo_ref[...],
                   preferred_element_type=jnp.float32) + bo_ref[...]
    r2 = attn + r1_ref[...]
    r2_out[...] = r2

    ms = jnp.mean(r2 * r2, axis=1, keepdims=True)
    h2 = (r2 * jax.lax.rsqrt(ms + EPS) * ln2_ref[...]).astype(jnp.bfloat16)

    logits = jnp.dot(h2, wr_ref[...],
                     preferred_element_type=jnp.float32) + br_ref[...]
    m1 = jnp.max(logits, axis=1, keepdims=True)
    s2 = jnp.max(jnp.where(logits >= m1, _NEG, logits), axis=1, keepdims=True)
    e2 = jnp.exp(s2 - m1)
    denom = 1.0 + e2
    factor = 1.0 / denom + e2 / denom

    gu = jnp.dot(h2, wgu_ref[...],
                 preferred_element_type=jnp.float32) + bgu_ref[...]
    gate = gu[:, :I]
    up = gu[:, I:]
    x = gate * (up * jax.nn.sigmoid(up))
    eo = jnp.dot(x.astype(jnp.bfloat16), wd_ref[...],
                 preferred_element_type=jnp.float32) + bd_ref[...]
    out_ref[...] = factor * eo


def kernel(positions, hidden_states, residual, w_qkv, b_qkv, w_o, b_o,
           w_router, b_router, w_gate_up, b_gate_up, w_down, b_down,
           ln1_w, ln2_w):
    f32 = jnp.float32
    bf16 = jnp.bfloat16
    pos = positions.astype(f32).reshape(S, 1)
    w_qkv_t = w_qkv.T[:, _PERM].astype(bf16)
    b_qkv_p = b_qkv[_PERM].reshape(1, -1).astype(f32)
    wo_t = w_o.T.astype(bf16)
    wr_t = w_router.T.astype(bf16)
    wgu_t = w_gate_up.T.astype(bf16)
    wd_t = w_down.T.astype(bf16)

    full = lambda shape: pl.BlockSpec(shape, lambda i: (0, 0))
    blk = lambda cols: pl.BlockSpec((BLK, cols), lambda i: (i, 0))

    q_ro, k_ro, v, r1 = pl.pallas_call(
        _stage1_body,
        grid=(GRID,),
        in_specs=[
            blk(1),
            blk(H),
            blk(H),
            full((H, Q_SIZE + 2 * KV_SIZE)),
            full((1, Q_SIZE + 2 * KV_SIZE)),
            full((1, H)),
        ],
        out_specs=[blk(Q_SIZE), blk(KV_SIZE), blk(KV_SIZE), blk(H)],
        out_shape=[
            jax.ShapeDtypeStruct((S, Q_SIZE), bf16),
            jax.ShapeDtypeStruct((S, KV_SIZE), bf16),
            jax.ShapeDtypeStruct((S, KV_SIZE), bf16),
            jax.ShapeDtypeStruct((S, H), f32),
        ],
    )(pos, hidden_states, residual, w_qkv_t, b_qkv_p,
      ln1_w.reshape(1, H).astype(f32))

    out, r2 = pl.pallas_call(
        _stage2_body,
        grid=(GRID,),
        in_specs=[
            blk(Q_SIZE),
            full((S, KV_SIZE)),
            full((S, KV_SIZE)),
            blk(H),
            full((Q_SIZE, H)),
            full((1, H)),
            full((1, H)),
            full((H, E)),
            full((1, E)),
            full((H, 2 * I)),
            full((1, 2 * I)),
            full((I, H)),
            full((1, H)),
        ],
        out_specs=[blk(H), blk(H)],
        out_shape=[
            jax.ShapeDtypeStruct((S, H), f32),
            jax.ShapeDtypeStruct((S, H), f32),
        ],
    )(q_ro, k_ro, v, r1,
      wo_t, b_o.reshape(1, H).astype(f32), ln2_w.reshape(1, H).astype(f32),
      wr_t, b_router.reshape(1, E).astype(f32),
      wgu_t, b_gate_up.reshape(1, 2 * I).astype(f32),
      wd_t, b_down.reshape(1, H).astype(f32))

    return (out, r2)

# --- scband reference (transcript-rebuilt; emitter-appended) ---
"""Pipeline reference for scband-gpt-oss-decoder-layer-86595130622525 (READ-ONLY COPY).

The authoritative reference and input builder live on the scoring server;
editing this copy changes nothing except your own understanding.
"""

import jax, jax.numpy as jnp
import numpy as np

S = 2048
H = 768
NH = 12
NKV = 4
HD = 64
I = 768
E = 64
TOPK = 2
THETA = 150000.0
EPS = 1e-6


def setup_inputs(seed: int = 0) -> dict:
    key = jax.random.key(seed)
    ks = [jax.random.fold_in(key, i) for i in range(20)]
    q_size = NH * HD
    kv_size = NKV * HD
    inp = {}
    inp['positions'] = jnp.arange(S, dtype=jnp.int64) if jax.config.jax_enable_x64 else jnp.arange(S, dtype=jnp.int32)
    inp['hidden_states'] = jax.random.normal(ks[0], (S, H), dtype=jnp.float32)
    inp['residual'] = jax.random.normal(ks[1], (S, H), dtype=jnp.float32)
    inp['w_qkv'] = jax.random.normal(ks[2], (q_size + 2 * kv_size, H), dtype=jnp.float32) * 0.02
    inp['b_qkv'] = jax.random.normal(ks[3], (q_size + 2 * kv_size,), dtype=jnp.float32) * 0.02
    inp['w_o'] = jax.random.normal(ks[4], (H, NH * HD), dtype=jnp.float32) * 0.02
    inp['b_o'] = jax.random.normal(ks[5], (H,), dtype=jnp.float32) * 0.02
    inp['w_router'] = jax.random.normal(ks[6], (E, H), dtype=jnp.float32) * 0.02
    inp['b_router'] = jax.random.normal(ks[7], (E,), dtype=jnp.float32) * 0.02
    inp['w_gate_up'] = jax.random.normal(ks[8], (2 * I, H), dtype=jnp.float32) * 0.02
    inp['b_gate_up'] = jax.random.normal(ks[9], (2 * I,), dtype=jnp.float32) * 0.02
    inp['w_down'] = jax.random.normal(ks[10], (H, I), dtype=jnp.float32) * 0.02
    inp['b_down'] = jax.random.normal(ks[11], (H,), dtype=jnp.float32) * 0.02
    inp['ln1_w'] = jnp.ones((H,), dtype=jnp.float32)
    inp['ln2_w'] = jnp.ones((H,), dtype=jnp.float32)
    return inp


def _rmsnorm(x, w):
    return x * jax.lax.rsqrt(jnp.mean(x * x, axis=-1, keepdims=True) + EPS) * w


def _rope(pos, x):
    # neox style rotary over full head_dim
    half = HD // 2
    inv_freq = 1.0 / (THETA ** (jnp.arange(0, HD, 2, dtype=jnp.float32) / HD))
    freqs = pos.astype(jnp.float32)[:, None] * inv_freq[None, :]  # [S, half]
    cos = jnp.cos(freqs)[:, None, :]
    sin = jnp.sin(freqs)[:, None, :]
    x1 = x[..., :half]
    x2 = x[..., half:]
    return jnp.concatenate([x1 * cos - x2 * sin, x2 * cos + x1 * sin], axis=-1)


def reference(positions, hidden_states, residual, w_qkv, b_qkv, w_o, b_o,
              w_router, b_router, w_gate_up, b_gate_up, w_down, b_down,
              ln1_w, ln2_w):
    # fused add + RMSNorm (residual provided)
    residual1 = hidden_states + residual
    h = _rmsnorm(residual1, ln1_w)

    # attention
    q_size = NH * HD
    kv_size = NKV * HD
    qkv = h @ w_qkv.T + b_qkv
    q = qkv[:, :q_size].reshape(S, NH, HD)
    k = qkv[:, q_size:q_size + kv_size].reshape(S, NKV, HD)
    v = qkv[:, q_size + kv_size:].reshape(S, NKV, HD)
    q = _rope(positions, q)
    k = _rope(positions, k)
    rep = NH // NKV
    k = jnp.repeat(k, rep, axis=1)
    v = jnp.repeat(v, rep, axis=1)
    scale = HD ** -0.5
    scores = jnp.einsum('qhd,khd->hqk', q, k) * scale
    causal = jnp.tril(jnp.ones((S, S), dtype=bool))
    scores = jnp.where(causal[None, :, :], scores, -1e30)
    probs = jax.nn.softmax(scores, axis=-1)
    o = jnp.einsum('hqk,khd->qhd', probs, v).reshape(S, NH * HD)
    attn_out = o @ w_o.T + b_o

    # post-attention fused add + RMSNorm
    residual2 = attn_out + residual1
    h2 = _rmsnorm(residual2, ln2_w)

    # MoE (experts share weights in this module; expert_idx does not change math)
    router_logits = h2 @ w_router.T + b_router
    topk_scores, topk_indices = jax.lax.top_k(router_logits, TOPK)
    topk_scores = jax.nn.softmax(topk_scores, axis=-1)
    gate_up = h2 @ w_gate_up.T + b_gate_up
    gate = gate_up[:, :I]
    up = gate_up[:, I:]
    up = jax.nn.silu(up)
    x = gate * up
    expert_out = x @ w_down.T + b_down
    # sum over top-k of score * (identical shared-expert output)
    out = jnp.sum(topk_scores, axis=-1, keepdims=True) * expert_out
    return (out, residual2)

if __name__ == "__main__":
    import jax
    _d = setup_inputs()
    print(jax.jit(kernel)(*tuple(_d.values())))

</pallas_src>

<mosaic_0001>
module attributes {stable_mosaic.version = 14 : i64} {
  func.func @_stage1_body(%arg0: i32, %arg1: memref<256x1xf32, #tpu.memory_space<vmem>>, %arg2: memref<256x768xf32, #tpu.memory_space<vmem>>, %arg3: memref<256x768xf32, #tpu.memory_space<vmem>>, %arg4: memref<768x1280xbf16, #tpu.memory_space<vmem>>, %arg5: memref<1x1280xf32, #tpu.memory_space<vmem>>, %arg6: memref<1x768xf32, #tpu.memory_space<vmem>>, %arg7: memref<256x768xbf16, #tpu.memory_space<vmem>>, %arg8: memref<256x256xbf16, #tpu.memory_space<vmem>>, %arg9: memref<256x256xbf16, #tpu.memory_space<vmem>>, %arg10: memref<256x768xf32, #tpu.memory_space<vmem>>) attributes {dimension_semantics = [#tpu.dimension_semantics<arbitrary>], iteration_bounds = array<i64: 8>, scalar_prefetch = 0 : i64, scratch_operands = 0 : i64, tpu.core_type = #tpu.core_type<tc>, window_params = [{transform_indices = @transform_0, window_bounds = array<i64: 256, 1>}, {transform_indices = @transform_1, window_bounds = array<i64: 256, 768>}, {transform_indices = @transform_2, window_bounds = array<i64: 256, 768>}, {pipeline_mode = #tpu.pipeline_mode<synchronous>, transform_indices = @transform_3, window_bounds = array<i64: 768, 1280>}, {pipeline_mode = #tpu.pipeline_mode<synchronous>, transform_indices = @transform_4, window_bounds = array<i64: 1, 1280>}, {pipeline_mode = #tpu.pipeline_mode<synchronous>, transform_indices = @transform_5, window_bounds = array<i64: 1, 768>}, {transform_indices = @transform_6, window_bounds = array<i64: 256, 768>}, {transform_indices = @transform_7, window_bounds = array<i64: 256, 256>}, {transform_indices = @transform_8, window_bounds = array<i64: 256, 256>}, {transform_indices = @transform_9, window_bounds = array<i64: 256, 768>}]} {
    %get3A = arith.constant 0 : index
    %get3A_0 = arith.constant 0 : index
    %get3A_1 = vector.load %arg2[%get3A, %get3A_0] : memref<256x768xf32, #tpu.memory_space<vmem>>, vector<256x768xf32>
    %get3A_2 = arith.constant 0 : index
    %get3A_3 = arith.constant 0 : index
    %get3A_4 = vector.load %arg3[%get3A_2, %get3A_3] : memref<256x768xf32, #tpu.memory_space<vmem>>, vector<256x768xf32>
    %add3A = arith.addf %get3A_1, %get3A_4 : vector<256x768xf32>
    %swap3A = arith.constant 0 : index
    %swap3A_5 = arith.constant 0 : index
    %swap3A_6 = vector.load %arg10[%swap3A, %swap3A_5] : memref<256x768xf32, #tpu.memory_space<vmem>>, vector<256x768xf32>
    tpu.vector_store %arg10[%swap3A, %swap3A_5], %add3A {strides = array<i32>} : memref<256x768xf32, #tpu.memory_space<vmem>>, vector<256x768xf32>,
    %mul3A = arith.mulf %add3A, %add3A : vector<256x768xf32>
    %reduce_sum3A = arith.constant dense<0.000000e+00> : vector<256xf32>
    %reduce_sum3A_7 = vector.multi_reduction <add>, %mul3A, %reduce_sum3A [1] : vector<256x768xf32> to vector<256xf32>
    %broadcast_in_dim3A = vector.shape_cast %reduce_sum3A_7 : vector<256xf32> to vector<256x1xf32>
    %div3A = arith.constant 7.680000e+02 : f32
    %div3A_8 = vector.broadcast %div3A : f32 to vector<256x1xf32>
    %div3A_9 = arith.divf %broadcast_in_dim3A, %div3A_8 : vector<256x1xf32>
    %add3A_10 = arith.constant 9.99999997E-7 : f32
    %add3A_11 = vector.broadcast %add3A_10 : f32 to vector<256x1xf32>
    %add3A_12 = arith.addf %div3A_9, %add3A_11 : vector<256x1xf32>
    %rsqrt3A = math.rsqrt %add3A_12 : vector<256x1xf32>
    %mul3A_13 = vector.broadcast %rsqrt3A : vector<256x1xf32> to vector<256x768xf32>
    %mul3A_14 = arith.mulf %add3A, %mul3A_13 : vector<256x768xf32>
    %get3A_15 = arith.constant 0 : index
    %get3A_16 = arith.constant 0 : index
    %get3A_17 = vector.load %arg6[%get3A_15, %get3A_16] : memref<1x768xf32, #tpu.memory_space<vmem>>, vector<1x768xf32>
    %mul3A_18 = vector.broadcast %get3A_17 : vector<1x768xf32> to vector<256x768xf32>
    %mul3A_19 = arith.mulf %mul3A_14, %mul3A_18 : vector<256x768xf32>
    %convert_element_type3A = arith.truncf %mul3A_19 : vector<256x768xf32> to vector<256x768xbf16>
    %get3A_20 = arith.constant 0 : index
    %get3A_21 = arith.constant 0 : index
    %get3A_22 = vector.load %arg4[%get3A_20, %get3A_21] : memref<768x1280xbf16, #tpu.memory_space<vmem>>, vector<768x1280xbf16>
    %dot_general3A = arith.constant dense<0.000000e+00> : vector<256x1280xf32>
    %dot_general3A_23 = tpu.matmul %convert_element_type3A, %get3A_22, %dot_general3A {dimension_numbers = #tpu.dot_dimension_numbers<[1], [0], [0], [1], [0, 0, 1, 1], [], []>, transpose_lhs_hint = false} : vector<256x768xbf16>, vector<768x1280xbf16>, vector<256x1280xf32> -> vector<256x1280xf32>
    %get3A_24 = arith.constant 0 : index
    %get3A_25 = arith.constant 0 : index
    %get3A_26 = vector.load %arg5[%get3A_24, %get3A_25] : memref<1x1280xf32, #tpu.memory_space<vmem>>, vector<1x1280xf32>
    %add3A_27 = vector.broadcast %get3A_26 : vector<1x1280xf32> to vector<256x1280xf32>
    %add3A_28 = arith.addf %dot_general3A_23, %add3A_27 : vector<256x1280xf32>
    %get3A_29 = arith.constant 0 : index
    %get3A_30 = arith.constant 0 : index
    %get3A_31 = vector.load %arg1[%get3A_29, %get3A_30] : memref<256x1xf32, #tpu.memory_space<vmem>>, vector<256x1xf32>
    %iota3A = tpu.iota {dimensions = array<i32: 1>} : vector<1x384xi32>
    %rem3A = arith.constant 32 : i32
    %rem3A_32 = vector.broadcast %rem3A : i32 to vector<1x384xi32>
    %rem3A_33 = arith.remsi %iota3A, %rem3A_32 : vector<1x384xi32>
    %convert_element_type3A_34 = arith.sitofp %rem3A_33 : vector<1x384xi32> to vector<1x384xf32>
    %mul3A_35 = arith.constant -0.372449696 : f32
    %mul3A_36 = vector.broadcast %mul3A_35 : f32 to vector<1x384xf32>
    %mul3A_37 = arith.mulf %convert_element_type3A_34, %mul3A_36 : vector<1x384xf32>
    %exp3A = math.exp %mul3A_37 : vector<1x384xf32>
    %mul3A_38 = vector.broadcast %get3A_31 : vector<256x1xf32> to vector<256x384xf32>
    %mul3A_39 = vector.broadcast %exp3A : vector<1x384xf32> to vector<256x384xf32>
    %mul3A_40 = arith.mulf %mul3A_38, %mul3A_39 : vector<256x384xf32>
    %cos3A = math.cos %mul3A_40 : vector<256x384xf32>
    %sin3A = math.sin %mul3A_40 : vector<256x384xf32>
    %slice3A = vector.extract_strided_slice %cos3A {offsets = [0, 0], sizes = [256, 128], strides = [1, 1]} : vector<256x384xf32> to vector<256x128xf32>
    %slice3A_41 = vector.extract_strided_slice %sin3A {offsets = [0, 0], sizes = [256, 128], strides = [1, 1]} : vector<256x384xf32> to vector<256x128xf32>
    %slice3A_42 = vector.extract_strided_slice %add3A_28 {offsets = [0, 0], sizes = [256, 384], strides = [1, 1]} : vector<256x1280xf32> to vector<256x384xf32>
    %slice3A_43 = vector.extract_strided_slice %add3A_28 {offsets = [0, 384], sizes = [256, 384], strides = [1, 1]} : vector<256x1280xf32> to vector<256x384xf32>
    %slice3A_44 = vector.extract_strided_slice %add3A_28 {offsets = [0, 768], sizes = [256, 128], strides = [1, 1]} : vector<256x1280xf32> to vector<256x128xf32>
    %slice3A_45 = vector.extract_strided_slice %add3A_28 {offsets = [0, 896], sizes = [256, 128], strides = [1, 1]} : vector<256x1280xf32> to vector<256x128xf32>
    %slice3A_46 = vector.extract_strided_slice %add3A_28 {offsets = [0, 1024], sizes = [256, 256], strides = [1, 1]} : vector<256x1280xf32> to vector<256x256xf32>
    %mul3A_47 = arith.mulf %slice3A_42, %cos3A : vector<256x384xf32>
    %mul3A_48 = arith.mulf %slice3A_43, %sin3A : vector<256x384xf32>
    %sub3A = arith.subf %mul3A_47, %mul3A_48 : vector<256x384xf32>
    %mul3A_49 = arith.mulf %slice3A_43, %cos3A : vector<256x384xf32>
    %mul3A_50 = arith.mulf %slice3A_42, %sin3A : vector<256x384xf32>
    %add3A_51 = arith.addf %mul3A_49, %mul3A_50 : vector<256x384xf32>
    %concatenate3A = tpu.concatenate %sub3A, %add3A_51 in 1 : vector<256x384xf32>, vector<256x384xf32> -> vector<256x768xf32>
    %convert_element_type3A_52 = arith.truncf %concatenate3A : vector<256x768xf32> to vector<256x768xbf16>
    %swap3A_53 = arith.constant 0 : index
    %swap3A_54 = arith.constant 0 : index
    %swap3A_55 = vector.load %arg7[%swap3A_53, %swap3A_54] : memref<256x768xbf16, #tpu.memory_space<vmem>>, vector<256x768xbf16>
    tpu.vector_store %arg7[%swap3A_53, %swap3A_54], %convert_element_type3A_52 {strides = array<i32>} : memref<256x768xbf16, #tpu.memory_space<vmem>>, vector<256x768xbf16>,
    %mul3A_56 = arith.mulf %slice3A_44, %slice3A : vector<256x128xf32>
    %mul3A_57 = arith.mulf %slice3A_45, %slice3A_41 : vector<256x128xf32>
    %sub3A_58 = arith.subf %mul3A_56, %mul3A_57 : vector<256x128xf32>
    %mul3A_59 = arith.mulf %slice3A_45, %slice3A : vector<256x128xf32>
    %mul3A_60 = arith.mulf %slice3A_44, %slice3A_41 : vector<256x128xf32>
    %add3A_61 = arith.addf %mul3A_59, %mul3A_60 : vector<256x128xf32>
    %concatenate3A_62 = tpu.concatenate %sub3A_58, %add3A_61 in 1 : vector<256x128xf32>, vector<256x128xf32> -> vector<256x256xf32>
    %convert_element_type3A_63 = arith.truncf %concatenate3A_62 : vector<256x256xf32> to vector<256x256xbf16>
    %swap3A_64 = arith.constant 0 : index
    %swap3A_65 = arith.constant 0 : index
    %swap3A_66 = vector.load %arg8[%swap3A_64, %swap3A_65] : memref<256x256xbf16, #tpu.memory_space<vmem>>, vector<256x256xbf16>
    tpu.vector_store %arg8[%swap3A_64, %swap3A_65], %convert_element_type3A_63 {strides = array<i32>} : memref<256x256xbf16, #tpu.memory_space<vmem>>, vector<256x256xbf16>,
    %convert_element_type3A_67 = arith.truncf %slice3A_46 : vector<256x256xf32> to vector<256x256xbf16>
    %swap3A_68 = arith.constant 0 : index
    %swap3A_69 = arith.constant 0 : index
    %swap3A_70 = vector.load %arg9[%swap3A_68, %swap3A_69] : memref<256x256xbf16, #tpu.memory_space<vmem>>, vector<256x256xbf16>
    tpu.vector_store %arg9[%swap3A_68, %swap3A_69], %convert_element_type3A_67 {strides = array<i32>} : memref<256x256xbf16, #tpu.memory_space<vmem>>, vector<256x256xbf16>,
    return
  }
  func.func @transform_0(%arg0: i32) -> (i32, i32) {
    %c0_i32 = arith.constant 0 : i32
    %c0_i32_0 = arith.constant 0 : i32
    return %arg0, %c0_i32 : i32, i32
  }
  func.func @transform_1(%arg0: i32) -> (i32, i32) {
    %c0_i32 = arith.constant 0 : i32
    %c0_i32_0 = arith.constant 0 : i32
    return %arg0, %c0_i32 : i32, i32
  }
  func.func @transform_2(%arg0: i32) -> (i32, i32) {
    %c0_i32 = arith.constant 0 : i32
    %c0_i32_0 = arith.constant 0 : i32
    return %arg0, %c0_i32 : i32, i32
  }
  func.func @transform_3(%arg0: i32) -> (i32, i32) {
    %c0_i32 = arith.constant 0 : i32
    %c0_i32_0 = arith.constant 0 : i32
    %c0_i32_1 = arith.constant 0 : i32
    return %c0_i32, %c0_i32_0 : i32, i32
  }
  func.func @transform_4(%arg0: i32) -> (i32, i32) {
    %c0_i32 = arith.constant 0 : i32
    %c0_i32_0 = arith.constant 0 : i32
    %c0_i32_1 = arith.constant 0 : i32
    return %c0_i32, %c0_i32_0 : i32, i32
  }
  func.func @transform_5(%arg0: i32) -> (i32, i32) {
    %c0_i32 = arith.constant 0 : i32
    %c0_i32_0 = arith.constant 0 : i32
    %c0_i32_1 = arith.constant 0 : i32
    return %c0_i32, %c0_i32_0 : i32, i32
  }
  func.func @transform_6(%arg0: i32) -> (i32, i32) {
    %c0_i32 = arith.constant 0 : i32
    %c0_i32_0 = arith.constant 0 : i32
    return %arg0, %c0_i32 : i32, i32
  }
  func.func @transform_7(%arg0: i32) -> (i32, i32) {
    %c0_i32 = arith.constant 0 : i32
    %c0_i32_0 = arith.constant 0 : i32
    return %arg0, %c0_i32 : i32, i32
  }
  func.func @transform_8(%arg0: i32) -> (i32, i32) {
    %c0_i32 = arith.constant 0 : i32
    %c0_i32_0 = arith.constant 0 : i32
    return %arg0, %c0_i32 : i32, i32
  }
  func.func @transform_9(%arg0: i32) -> (i32, i32) {
    %c0_i32 = arith.constant 0 : i32
    %c0_i32_0 = arith.constant 0 : i32
    return %arg0, %c0_i32 : i32, i32
  }
}

module attributes {stable_mosaic.version = 14 : i64} {
  func.func @_stage2_body(%arg0: i32, %arg1: memref<256x768xbf16, #tpu.memory_space<vmem>>, %arg2: memref<2048x256xbf16, #tpu.memory_space<vmem>>, %arg3: memref<2048x256xbf16, #tpu.memory_space<vmem>>, %arg4: memref<256x768xf32, #tpu.memory_space<vmem>>, %arg5: memref<768x768xbf16, #tpu.memory_space<vmem>>, %arg6: memref<1x768xf32, #tpu.memory_space<vmem>>, %arg7: memref<1x768xf32, #tpu.memory_space<vmem>>, %arg8: memref<768x64xbf16, #tpu.memory_space<vmem>>, %arg9: memref<1x64xf32, #tpu.memory_space<vmem>>, %arg10: memref<768x1536xbf16, #tpu.memory_space<vmem>>, %arg11: memref<1x1536xf32, #tpu.memory_space<vmem>>, %arg12: memref<768x768xbf16, #tpu.memory_space<vmem>>, %arg13: memref<1x768xf32, #tpu.memory_space<vmem>>, %arg14: memref<256x768xf32, #tpu.memory_space<vmem>>, %arg15: memref<256x768xf32, #tpu.memory_space<vmem>>) attributes {dimension_semantics = [#tpu.dimension_semantics<arbitrary>], iteration_bounds = array<i64: 8>, scalar_prefetch = 0 : i64, scratch_operands = 0 : i64, tpu.core_type = #tpu.core_type<tc>, window_params = [{transform_indices = @transform_0, window_bounds = array<i64: 256, 768>}, {pipeline_mode = #tpu.pipeline_mode<synchronous>, transform_indices = @transform_1, window_bounds = array<i64: 2048, 256>}, {pipeline_mode = #tpu.pipeline_mode<synchronous>, transform_indices = @transform_2, window_bounds = array<i64: 2048, 256>}, {transform_indices = @transform_3, window_bounds = array<i64: 256, 768>}, {pipeline_mode = #tpu.pipeline_mode<synchronous>, transform_indices = @transform_4, window_bounds = array<i64: 768, 768>}, {pipeline_mode = #tpu.pipeline_mode<synchronous>, transform_indices = @transform_5, window_bounds = array<i64: 1, 768>}, {pipeline_mode = #tpu.pipeline_mode<synchronous>, transform_indices = @transform_6, window_bounds = array<i64: 1, 768>}, {pipeline_mode = #tpu.pipeline_mode<synchronous>, transform_indices = @transform_7, window_bounds = array<i64: 768, 64>}, {pipeline_mode = #tpu.pipeline_mode<synchronous>, transform_indices = @transform_8, window_bounds = array<i64: 1, 64>}, {pipeline_mode = #tpu.pipeline_mode<synchronous>, transform_indices = @transform_9, window_bounds = array<i64: 768, 1536>}, {pipeline_mode = #tpu.pipeline_mode<synchronous>, transform_indices = @transform_10, window_bounds = array<i64: 1, 1536>}, {pipeline_mode = #tpu.pipeline_mode<synchronous>, transform_indices = @transform_11, window_bounds = array<i64: 768, 768>}, {pipeline_mode = #tpu.pipeline_mode<synchronous>, transform_indices = @transform_12, window_bounds = array<i64: 1, 768>}, {transform_indices = @transform_13, window_bounds = array<i64: 256, 768>}, {transform_indices = @transform_14, window_bounds = array<i64: 256, 768>}]} {
    %mul3A = arith.constant 256 : i32
    %mul3A_0 = arith.muli %arg0, %mul3A : i32
    %iota3A = tpu.iota {dimensions = array<i32: 0>} : vector<768x1xi32>
    %rem3A = arith.constant 256 : i32
    %rem3A_1 = vector.broadcast %rem3A : i32 to vector<768x1xi32>
    %rem3A_2 = arith.remsi %iota3A, %rem3A_1 : vector<768x1xi32>
    %iota3A_3 = tpu.iota {dimensions = array<i32: 1>} : vector<1x2048xi32>
    %add3A = vector.broadcast %mul3A_0 : i32 to vector<768x1xi32>
    %add3A_4 = arith.addi %add3A, %rem3A_2 : vector<768x1xi32>
    %le3A = vector.broadcast %iota3A_3 : vector<1x2048xi32> to vector<768x2048xi32>
    %le3A_5 = vector.broadcast %add3A_4 : vector<768x1xi32> to vector<768x2048xi32>
    %le3A_6 = arith.cmpi sle, %le3A, %le3A_5 : vector<768x2048xi32>
    %get3A = arith.constant 0 : index
    %get3A_7 = arith.constant 0 : index
    %get3A_8 = vector.load %arg2[%get3A, %get3A_7] : memref<2048x256xbf16, #tpu.memory_space<vmem>>, vector<2048x32xbf16>
    %get3A_9 = arith.constant 0 : index
    %get3A_10 = arith.constant 128 : index
    %get3A_11 = vector.load %arg2[%get3A_9, %get3A_10] : memref<2048x256xbf16, #tpu.memory_space<vmem>>, vector<2048x32xbf16>
    %concatenate3A = tpu.concatenate %get3A_8, %get3A_11 in 1 : vector<2048x32xbf16>, vector<2048x32xbf16> -> vector<2048x64xbf16>
    %get3A_12 = arith.constant 0 : index
    %get3A_13 = arith.constant 0 : index
    %get3A_14 = vector.load %arg3[%get3A_12, %get3A_13] : memref<2048x256xbf16, #tpu.memory_space<vmem>>, vector<2048x64xbf16>
    %get3A_15 = arith.constant 0 : index
    %get3A_16 = arith.constant 0 : index
    %get3A_17 = vector.load %arg1[%get3A_15, %get3A_16] : memref<256x768xbf16, #tpu.memory_space<vmem>>, vector<256x32xbf16>
    %get3A_18 = arith.constant 0 : index
    %get3A_19 = arith.constant 384 : index
    %get3A_20 = vector.load %arg1[%get3A_18, %get3A_19] : memref<256x768xbf16, #tpu.memory_space<vmem>>, vector<256x32xbf16>
    %concatenate3A_21 = tpu.concatenate %get3A_17, %get3A_20 in 1 : vector<256x32xbf16>, vector<256x32xbf16> -> vector<256x64xbf16>
    %get3A_22 = arith.constant 0 : index
    %get3A_23 = arith.constant 32 : index
    %get3A_24 = vector.load %arg1[%get3A_22, %get3A_23] : memref<256x768xbf16, #tpu.memory_space<vmem>>, vector<256x32xbf16>
    %get3A_25 = arith.constant 0 : index
    %get3A_26 = arith.constant 416 : index
    %get3A_27 = vector.load %arg1[%get3A_25, %get3A_26] : memref<256x768xbf16, #tpu.memory_space<vmem>>, vector<256x32xbf16>
    %concatenate3A_28 = tpu.concatenate %get3A_24, %get3A_27 in 1 : vector<256x32xbf16>, vector<256x32xbf16> -> vector<256x64xbf16>
    %get3A_29 = arith.constant 0 : index
    %get3A_30 = arith.constant 64 : index
    %get3A_31 = vector.load %arg1[%get3A_29, %get3A_30] : memref<256x768xbf16, #tpu.memory_space<vmem>>, vector<256x32xbf16>
    %get3A_32 = arith.constant 0 : index
    %get3A_33 = arith.constant 448 : index
    %get3A_34 = vector.load %arg1[%get3A_32, %get3A_33] : memref<256x768xbf16, #tpu.memory_space<vmem>>, vector<256x32xbf16>
    %concatenate3A_35 = tpu.concatenate %get3A_31, %get3A_34 in 1 : vector<256x32xbf16>, vector<256x32xbf16> -> vector<256x64xbf16>
    %concatenate3A_36 = tpu.concatenate %concatenate3A_21, %concatenate3A_28, %concatenate3A_35 in 0 : vector<256x64xbf16>, vector<256x64xbf16>, vector<256x64xbf16> -> vector<768x64xbf16>
    %dot_general3A = arith.constant dense<0.000000e+00> : vector<768x2048xf32>
    %dot_general3A_37 = tpu.matmul %concatenate3A_36, %concatenate3A, %dot_general3A {dimension_numbers = #tpu.dot_dimension_numbers<[1], [1], [0], [0], [0, 0, 1, 0], [], []>, transpose_lhs_hint = false} : vector<768x64xbf16>, vector<2048x64xbf16>, vector<768x2048xf32> -> vector<768x2048xf32>
    %mul3A_38 = arith.constant 1.250000e-01 : f32
    %mul3A_39 = vector.broadcast %mul3A_38 : f32 to vector<768x2048xf32>
    %mul3A_40 = arith.mulf %dot_general3A_37, %mul3A_39 : vector<768x2048xf32>
    %jit3A = arith.constant -1.000000e+30 : f32
    %broadcast_in_dim3A = vector.broadcast %jit3A : f32 to vector<768x2048xf32>
    %select_n3A = arith.select %le3A_6, %mul3A_40, %broadcast_in_dim3A : vector<768x2048xi1>, vector<768x2048xf32>
    %reduce_max3A = arith.constant dense<0xFF800000> : vector<768xf32>
    %reduce_max3A_41 = vector.multi_reduction <maximumf>, %select_n3A, %reduce_max3A [1] : vector<768x2048xf32> to vector<768xf32>
    %broadcast_in_dim3A_42 = vector.shape_cast %reduce_max3A_41 : vector<768xf32> to vector<768x1xf32>
    %sub3A = vector.broadcast %broadcast_in_dim3A_42 : vector<768x1xf32> to vector<768x2048xf32>
    %sub3A_43 = arith.subf %select_n3A, %sub3A : vector<768x2048xf32>
    %exp3A = math.exp %sub3A_43 : vector<768x2048xf32>
    %reduce_sum3A = arith.constant dense<0.000000e+00> : vector<768xf32>
    %reduce_sum3A_44 = vector.multi_reduction <add>, %exp3A, %reduce_sum3A [1] : vector<768x2048xf32> to vector<768xf32>
    %broadcast_in_dim3A_45 = vector.shape_cast %reduce_sum3A_44 : vector<768xf32> to vector<768x1xf32>
    %convert_element_type3A = arith.truncf %exp3A : vector<768x2048xf32> to vector<768x2048xbf16>
    %dot_general3A_46 = arith.constant dense<0.000000e+00> : vector<768x64xf32>
    %dot_general3A_47 = tpu.matmul %convert_element_type3A, %get3A_14, %dot_general3A_46 {dimension_numbers = #tpu.dot_dimension_numbers<[1], [0], [0], [1], [0, 0, 1, 1], [], []>, transpose_lhs_hint = false} : vector<768x2048xbf16>, vector<2048x64xbf16>, vector<768x64xf32> -> vector<768x64xf32>
    %div3A = vector.broadcast %broadcast_in_dim3A_45 : vector<768x1xf32> to vector<768x64xf32>
    %div3A_48 = arith.divf %dot_general3A_47, %div3A : vector<768x64xf32>
    %slice3A = vector.extract_strided_slice %div3A_48 {offsets = [0, 0], sizes = [256, 64], strides = [1, 1]} : vector<768x64xf32> to vector<256x64xf32>
    %slice3A_49 = vector.extract_strided_slice %div3A_48 {offsets = [256, 0], sizes = [256, 64], strides = [1, 1]} : vector<768x64xf32> to vector<256x64xf32>
    %slice3A_50 = vector.extract_strided_slice %div3A_48 {offsets = [512, 0], sizes = [256, 64], strides = [1, 1]} : vector<768x64xf32> to vector<256x64xf32>
    %get3A_51 = arith.constant 0 : index
    %get3A_52 = arith.constant 32 : index
    %get3A_53 = vector.load %arg2[%get3A_51, %get3A_52] : memref<2048x256xbf16, #tpu.memory_space<vmem>>, vector<2048x32xbf16>
    %get3A_54 = arith.constant 0 : index
    %get3A_55 = arith.constant 160 : index
    %get3A_56 = vector.load %arg2[%get3A_54, %get3A_55] : memref<2048x256xbf16, #tpu.memory_space<vmem>>, vector<2048x32xbf16>
    %concatenate3A_57 = tpu.concatenate %get3A_53, %get3A_56 in 1 : vector<2048x32xbf16>, vector<2048x32xbf16> -> vector<2048x64xbf16>
    %get3A_58 = arith.constant 0 : index
    %get3A_59 = arith.constant 64 : index
    %get3A_60 = vector.load %arg3[%get3A_58, %get3A_59] : memref<2048x256xbf16, #tpu.memory_space<vmem>>, vector<2048x64xbf16>
    %get3A_61 = arith.constant 0 : index
    %get3A_62 = arith.constant 96 : index
    %get3A_63 = vector.load %arg1[%get3A_61, %get3A_62] : memref<256x768xbf16, #tpu.memory_space<vmem>>, vector<256x32xbf16>
    %get3A_64 = arith.constant 0 : index
    %get3A_65 = arith.constant 480 : index
    %get3A_66 = vector.load %arg1[%get3A_64, %get3A_65] : memref<256x768xbf16, #tpu.memory_space<vmem>>, vector<256x32xbf16>
    %concatenate3A_67 = tpu.concatenate %get3A_63, %get3A_66 in 1 : vector<256x32xbf16>, vector<256x32xbf16> -> vector<256x64xbf16>
    %get3A_68 = arith.constant 0 : index
    %get3A_69 = arith.constant 128 : index
    %get3A_70 = vector.load %arg1[%get3A_68, %get3A_69] : memref<256x768xbf16, #tpu.memory_space<vmem>>, vector<256x32xbf16>
    %get3A_71 = arith.constant 0 : index
    %get3A_72 = arith.constant 512 : index
    %get3A_73 = vector.load %arg1[%get3A_71, %get3A_72] : memref<256x768xbf16, #tpu.memory_space<vmem>>, vector<256x32xbf16>
    %concatenate3A_74 = tpu.concatenate %get3A_70, %get3A_73 in 1 : vector<256x32xbf16>, vector<256x32xbf16> -> vector<256x64xbf16>
    %get3A_75 = arith.constant 0 : index
    %get3A_76 = arith.constant 160 : index
    %get3A_77 = vector.load %arg1[%get3A_75, %get3A_76] : memref<256x768xbf16, #tpu.memory_space<vmem>>, vector<256x32xbf16>
    %get3A_78 = arith.constant 0 : index
    %get3A_79 = arith.constant 544 : index
    %get3A_80 = vector.load %arg1[%get3A_78, %get3A_79] : memref<256x768xbf16, #tpu.memory_space<vmem>>, vector<256x32xbf16>
    %concatenate3A_81 = tpu.concatenate %get3A_77, %get3A_80 in 1 : vector<256x32xbf16>, vector<256x32xbf16> -> vector<256x64xbf16>
    %concatenate3A_82 = tpu.concatenate %concatenate3A_67, %concatenate3A_74, %concatenate3A_81 in 0 : vector<256x64xbf16>, vector<256x64xbf16>, vector<256x64xbf16> -> vector<768x64xbf16>
    %dot_general3A_83 = arith.constant dense<0.000000e+00> : vector<768x2048xf32>
    %dot_general3A_84 = tpu.matmul %concatenate3A_82, %concatenate3A_57, %dot_general3A_83 {dimension_numbers = #tpu.dot_dimension_numbers<[1], [1], [0], [0], [0, 0, 1, 0], [], []>, transpose_lhs_hint = false} : vector<768x64xbf16>, vector<2048x64xbf16>, vector<768x2048xf32> -> vector<768x2048xf32>
    %mul3A_85 = arith.constant 1.250000e-01 : f32
    %mul3A_86 = vector.broadcast %mul3A_85 : f32 to vector<768x2048xf32>
    %mul3A_87 = arith.mulf %dot_general3A_84, %mul3A_86 : vector<768x2048xf32>
    %jit3A_88 = arith.constant -1.000000e+30 : f32
    %broadcast_in_dim3A_89 = vector.broadcast %jit3A_88 : f32 to vector<768x2048xf32>
    %select_n3A_90 = arith.select %le3A_6, %mul3A_87, %broadcast_in_dim3A_89 : vector<768x2048xi1>, vector<768x2048xf32>
    %reduce_max3A_91 = arith.constant dense<0xFF800000> : vector<768xf32>
    %reduce_max3A_92 = vector.multi_reduction <maximumf>, %select_n3A_90, %reduce_max3A_91 [1] : vector<768x2048xf32> to vector<768xf32>
    %broadcast_in_dim3A_93 = vector.shape_cast %reduce_max3A_92 : vector<768xf32> to vector<768x1xf32>
    %sub3A_94 = vector.broadcast %broadcast_in_dim3A_93 : vector<768x1xf32> to vector<768x2048xf32>
    %sub3A_95 = arith.subf %select_n3A_90, %sub3A_94 : vector<768x2048xf32>
    %exp3A_96 = math.exp %sub3A_95 : vector<768x2048xf32>
    %reduce_sum3A_97 = arith.constant dense<0.000000e+00> : vector<768xf32>
    %reduce_sum3A_98 = vector.multi_reduction <add>, %exp3A_96, %reduce_sum3A_97 [1] : vector<768x2048xf32> to vector<768xf32>
    %broadcast_in_dim3A_99 = vector.shape_cast %reduce_sum3A_98 : vector<768xf32> to vector<768x1xf32>
    %convert_element_type3A_100 = arith.truncf %exp3A_96 : vector<768x2048xf32> to vector<768x2048xbf16>
    %dot_general3A_101 = arith.constant dense<0.000000e+00> : vector<768x64xf32>
    %dot_general3A_102 = tpu.matmul %convert_element_type3A_100, %get3A_60, %dot_general3A_101 {dimension_numbers = #tpu.dot_dimension_numbers<[1], [0], [0], [1], [0, 0, 1, 1], [], []>, transpose_lhs_hint = false} : vector<768x2048xbf16>, vector<2048x64xbf16>, vector<768x64xf32> -> vector<768x64xf32>
    %div3A_103 = vector.broadcast %broadcast_in_dim3A_99 : vector<768x1xf32> to vector<768x64xf32>
    %div3A_104 = arith.divf %dot_general3A_102, %div3A_103 : vector<768x64xf32>
    %slice3A_105 = vector.extract_strided_slice %div3A_104 {offsets = [0, 0], sizes = [256, 64], strides = [1, 1]} : vector<768x64xf32> to vector<256x64xf32>
    %slice3A_106 = vector.extract_strided_slice %div3A_104 {offsets = [256, 0], sizes = [256, 64], strides = [1, 1]} : vector<768x64xf32> to vector<256x64xf32>
    %slice3A_107 = vector.extract_strided_slice %div3A_104 {offsets = [512, 0], sizes = [256, 64], strides = [1, 1]} : vector<768x64xf32> to vector<256x64xf32>
    %get3A_108 = arith.constant 0 : index
    %get3A_109 = arith.constant 64 : index
    %get3A_110 = vector.load %arg2[%get3A_108, %get3A_109] : memref<2048x256xbf16, #tpu.memory_space<vmem>>, vector<2048x32xbf16>
    %get3A_111 = arith.constant 0 : index
    %get3A_112 = arith.constant 192 : index
    %get3A_113 = vector.load %arg2[%get3A_111, %get3A_112] : memref<2048x256xbf16, #tpu.memory_space<vmem>>, vector<2048x32xbf16>
    %concatenate3A_114 = tpu.concatenate %get3A_110, %get3A_113 in 1 : vector<2048x32xbf16>, vector<2048x32xbf16> -> vector<2048x64xbf16>
    %get3A_115 = arith.constant 0 : index
    %get3A_116 = arith.constant 128 : index
    %get3A_117 = vector.load %arg3[%get3A_115, %get3A_116] : memref<2048x256xbf16, #tpu.memory_space<vmem>>, vector<2048x64xbf16>
    %get3A_118 = arith.constant 0 : index
    %get3A_119 = arith.constant 192 : index
    %get3A_120 = vector.load %arg1[%get3A_118, %get3A_119] : memref<256x768xbf16, #tpu.memory_space<vmem>>, vector<256x32xbf16>
    %get3A_121 = arith.constant 0 : index
    %get3A_122 = arith.constant 576 : index
    %get3A_123 = vector.load %arg1[%get3A_121, %get3A_122] : memref<256x768xbf16, #tpu.memory_space<vmem>>, vector<256x32xbf16>
    %concatenate3A_124 = tpu.concatenate %get3A_120, %get3A_123 in 1 : vector<256x32xbf16>, vector<256x32xbf16> -> vector<256x64xbf16>
    %get3A_125 = arith.constant 0 : index
    %get3A_126 = arith.constant 224 : index
    %get3A_127 = vector.load %arg1[%get3A_125, %get3A_126] : memref<256x768xbf16, #tpu.memory_space<vmem>>, vector<256x32xbf16>
    %get3A_128 = arith.constant 0 : index
    %get3A_129 = arith.constant 608 : index
    %get3A_130 = vector.load %arg1[%get3A_128, %get3A_129] : memref<256x768xbf16, #tpu.memory_space<vmem>>, vector<256x32xbf16>
    %concatenate3A_131 = tpu.concatenate %get3A_127, %get3A_130 in 1 : vector<256x32xbf16>, vector<256x32xbf16> -> vector<256x64xbf16>
    %get3A_132 = arith.constant 0 : index
    %get3A_133 = arith.constant 256 : index
    %get3A_134 = vector.load %arg1[%get3A_132, %get3A_133] : memref<256x768xbf16, #tpu.memory_space<vmem>>, vector<256x32xbf16>
    %get3A_135 = arith.constant 0 : index
    %get3A_136 = arith.constant 640 : index
    %get3A_137 = vector.load %arg1[%get3A_135, %get3A_136] : memref<256x768xbf16, #tpu.memory_space<vmem>>, vector<256x32xbf16>
    %concatenate3A_138 = tpu.concatenate %get3A_134, %get3A_137 in 1 : vector<256x32xbf16>, vector<256x32xbf16> -> vector<256x64xbf16>
    %concatenate3A_139 = tpu.concatenate %concatenate3A_124, %concatenate3A_131, %concatenate3A_138 in 0 : vector<256x64xbf16>, vector<256x64xbf16>, vector<256x64xbf16> -> vector<768x64xbf16>
    %dot_general3A_140 = arith.constant dense<0.000000e+00> : vector<768x2048xf32>
    %dot_general3A_141 = tpu.matmul %concatenate3A_139, %concatenate3A_114, %dot_general3A_140 {dimension_numbers = #tpu.dot_dimension_numbers<[1], [1], [0], [0], [0, 0, 1, 0], [], []>, transpose_lhs_hint = false} : vector<768x64xbf16>, vector<2048x64xbf16>, vector<768x2048xf32> -> vector<768x2048xf32>
    %mul3A_142 = arith.constant 1.250000e-01 : f32
    %mul3A_143 = vector.broadcast %mul3A_142 : f32 to vector<768x2048xf32>
    %mul3A_144 = arith.mulf %dot_general3A_141, %mul3A_143 : vector<768x2048xf32>
    %jit3A_145 = arith.constant -1.000000e+30 : f32
    %broadcast_in_dim3A_146 = vector.broadcast %jit3A_145 : f32 to vector<768x2048xf32>
    %select_n3A_147 = arith.select %le3A_6, %mul3A_144, %broadcast_in_dim3A_146 : vector<768x2048xi1>, vector<768x2048xf32>
    %reduce_max3A_148 = arith.constant dense<0xFF800000> : vector<768xf32>
    %reduce_max3A_149 = vector.multi_reduction <maximumf>, %select_n3A_147, %reduce_max3A_148 [1] : vector<768x2048xf32> to vector<768xf32>
    %broadcast_in_dim3A_150 = vector.shape_cast %reduce_max3A_149 : vector<768xf32> to vector<768x1xf32>
    %sub3A_151 = vector.broadcast %broadcast_in_dim3A_150 : vector<768x1xf32> to vector<768x2048xf32>
    %sub3A_152 = arith.subf %select_n3A_147, %sub3A_151 : vector<768x2048xf32>
    %exp3A_153 = math.exp %sub3A_152 : vector<768x2048xf32>
    %reduce_sum3A_154 = arith.constant dense<0.000000e+00> : vector<768xf32>
    %reduce_sum3A_155 = vector.multi_reduction <add>, %exp3A_153, %reduce_sum3A_154 [1] : vector<768x2048xf32> to vector<768xf32>
    %broadcast_in_dim3A_156 = vector.shape_cast %reduce_sum3A_155 : vector<768xf32> to vector<768x1xf32>
    %convert_element_type3A_157 = arith.truncf %exp3A_153 : vector<768x2048xf32> to vector<768x2048xbf16>
    %dot_general3A_158 = arith.constant dense<0.000000e+00> : vector<768x64xf32>
    %dot_general3A_159 = tpu.matmul %convert_element_type3A_157, %get3A_117, %dot_general3A_158 {dimension_numbers = #tpu.dot_dimension_numbers<[1], [0], [0], [1], [0, 0, 1, 1], [], []>, transpose_lhs_hint = false} : vector<768x2048xbf16>, vector<2048x64xbf16>, vector<768x64xf32> -> vector<768x64xf32>
    %div3A_160 = vector.broadcast %broadcast_in_dim3A_156 : vector<768x1xf32> to vector<768x64xf32>
    %div3A_161 = arith.divf %dot_general3A_159, %div3A_160 : vector<768x64xf32>
    %slice3A_162 = vector.extract_strided_slice %div3A_161 {offsets = [0, 0], sizes = [256, 64], strides = [1, 1]} : vector<768x64xf32> to vector<256x64xf32>
    %slice3A_163 = vector.extract_strided_slice %div3A_161 {offsets = [256, 0], sizes = [256, 64], strides = [1, 1]} : vector<768x64xf32> to vector<256x64xf32>
    %slice3A_164 = vector.extract_strided_slice %div3A_161 {offsets = [512, 0], sizes = [256, 64], strides = [1, 1]} : vector<768x64xf32> to vector<256x64xf32>
    %get3A_165 = arith.constant 0 : index
    %get3A_166 = arith.constant 96 : index
    %get3A_167 = vector.load %arg2[%get3A_165, %get3A_166] : memref<2048x256xbf16, #tpu.memory_space<vmem>>, vector<2048x32xbf16>
    %get3A_168 = arith.constant 0 : index
    %get3A_169 = arith.constant 224 : index
    %get3A_170 = vector.load %arg2[%get3A_168, %get3A_169] : memref<2048x256xbf16, #tpu.memory_space<vmem>>, vector<2048x32xbf16>
    %concatenate3A_171 = tpu.concatenate %get3A_167, %get3A_170 in 1 : vector<2048x32xbf16>, vector<2048x32xbf16> -> vector<2048x64xbf16>
    %get3A_172 = arith.constant 0 : index
    %get3A_173 = arith.constant 192 : index
    %get3A_174 = vector.load %arg3[%get3A_172, %get3A_173] : memref<2048x256xbf16, #tpu.memory_space<vmem>>, vector<2048x64xbf16>
    %get3A_175 = arith.constant 0 : index
    %get3A_176 = arith.constant 288 : index
    %get3A_177 = vector.load %arg1[%get3A_175, %get3A_176] : memref<256x768xbf16, #tpu.memory_space<vmem>>, vector<256x32xbf16>
    %get3A_178 = arith.constant 0 : index
    %get3A_179 = arith.constant 672 : index
    %get3A_180 = vector.load %arg1[%get3A_178, %get3A_179] : memref<256x768xbf16, #tpu.memory_space<vmem>>, vector<256x32xbf16>
    %concatenate3A_181 = tpu.concatenate %get3A_177, %get3A_180 in 1 : vector<256x32xbf16>, vector<256x32xbf16> -> vector<256x64xbf16>
    %get3A_182 = arith.constant 0 : index
    %get3A_183 = arith.constant 320 : index
    %get3A_184 = vector.load %arg1[%get3A_182, %get3A_183] : memref<256x768xbf16, #tpu.memory_space<vmem>>, vector<256x32xbf16>
    %get3A_185 = arith.constant 0 : index
    %get3A_186 = arith.constant 704 : index
    %get3A_187 = vector.load %arg1[%get3A_185, %get3A_186] : memref<256x768xbf16, #tpu.memory_space<vmem>>, vector<256x32xbf16>
    %concatenate3A_188 = tpu.concatenate %get3A_184, %get3A_187 in 1 : vector<256x32xbf16>, vector<256x32xbf16> -> vector<256x64xbf16>
    %get3A_189 = arith.constant 0 : index
    %get3A_190 = arith.constant 352 : index
    %get3A_191 = vector.load %arg1[%get3A_189, %get3A_190] : memref<256x768xbf16, #tpu.memory_space<vmem>>, vector<256x32xbf16>
    %get3A_192 = arith.constant 0 : index
    %get3A_193 = arith.constant 736 : index
    %get3A_194 = vector.load %arg1[%get3A_192, %get3A_193] : memref<256x768xbf16, #tpu.memory_space<vmem>>, vector<256x32xbf16>
    %concatenate3A_195 = tpu.concatenate %get3A_191, %get3A_194 in 1 : vector<256x32xbf16>, vector<256x32xbf16> -> vector<256x64xbf16>
    %concatenate3A_196 = tpu.concatenate %concatenate3A_181, %concatenate3A_188, %concatenate3A_195 in 0 : vector<256x64xbf16>, vector<256x64xbf16>, vector<256x64xbf16> -> vector<768x64xbf16>
    %dot_general3A_197 = arith.constant dense<0.000000e+00> : vector<768x2048xf32>
    %dot_general3A_198 = tpu.matmul %concatenate3A_196, %concatenate3A_171, %dot_general3A_197 {dimension_numbers = #tpu.dot_dimension_numbers<[1], [1], [0], [0], [0, 0, 1, 0], [], []>, transpose_lhs_hint = false} : vector<768x64xbf16>, vector<2048x64xbf16>, vector<768x2048xf32> -> vector<768x2048xf32>
    %mul3A_199 = arith.constant 1.250000e-01 : f32
    %mul3A_200 = vector.broadcast %mul3A_199 : f32 to vector<768x2048xf32>
    %mul3A_201 = arith.mulf %dot_general3A_198, %mul3A_200 : vector<768x2048xf32>
    %jit3A_202 = arith.constant -1.000000e+30 : f32
    %broadcast_in_dim3A_203 = vector.broadcast %jit3A_202 : f32 to vector<768x2048xf32>
    %select_n3A_204 = arith.select %le3A_6, %mul3A_201, %broadcast_in_dim3A_203 : vector<768x2048xi1>, vector<768x2048xf32>
    %reduce_max3A_205 = arith.constant dense<0xFF800000> : vector<768xf32>
    %reduce_max3A_206 = vector.multi_reduction <maximumf>, %select_n3A_204, %reduce_max3A_205 [1] : vector<768x2048xf32> to vector<768xf32>
    %broadcast_in_dim3A_207 = vector.shape_cast %reduce_max3A_206 : vector<768xf32> to vector<768x1xf32>
    %sub3A_208 = vector.broadcast %broadcast_in_dim3A_207 : vector<768x1xf32> to vector<768x2048xf32>
    %sub3A_209 = arith.subf %select_n3A_204, %sub3A_208 : vector<768x2048xf32>
    %exp3A_210 = math.exp %sub3A_209 : vector<768x2048xf32>
    %reduce_sum3A_211 = arith.constant dense<0.000000e+00> : vector<768xf32>
    %reduce_sum3A_212 = vector.multi_reduction <add>, %exp3A_210, %reduce_sum3A_211 [1] : vector<768x2048xf32> to vector<768xf32>
    %broadcast_in_dim3A_213 = vector.shape_cast %reduce_sum3A_212 : vector<768xf32> to vector<768x1xf32>
    %convert_element_type3A_214 = arith.truncf %exp3A_210 : vector<768x2048xf32> to vector<768x2048xbf16>
    %dot_general3A_215 = arith.constant dense<0.000000e+00> : vector<768x64xf32>
    %dot_general3A_216 = tpu.matmul %convert_element_type3A_214, %get3A_174, %dot_general3A_215 {dimension_numbers = #tpu.dot_dimension_numbers<[1], [0], [0], [1], [0, 0, 1, 1], [], []>, transpose_lhs_hint = false} : vector<768x2048xbf16>, vector<2048x64xbf16>, vector<768x64xf32> -> vector<768x64xf32>
    %div3A_217 = vector.broadcast %broadcast_in_dim3A_213 : vector<768x1xf32> to vector<768x64xf32>
    %div3A_218 = arith.divf %dot_general3A_216, %div3A_217 : vector<768x64xf32>
    %slice3A_219 = vector.extract_strided_slice %div3A_218 {offsets = [0, 0], sizes = [256, 64], strides = [1, 1]} : vector<768x64xf32> to vector<256x64xf32>
    %slice3A_220 = vector.extract_strided_slice %div3A_218 {offsets = [256, 0], sizes = [256, 64], strides = [1, 1]} : vector<768x64xf32> to vector<256x64xf32>
    %slice3A_221 = vector.extract_strided_slice %div3A_218 {offsets = [512, 0], sizes = [256, 64], strides = [1, 1]} : vector<768x64xf32> to vector<256x64xf32>
    %concatenate3A_222 = tpu.concatenate %slice3A, %slice3A_49, %slice3A_50, %slice3A_105, %slice3A_106, %slice3A_107, %slice3A_162, %slice3A_163, %slice3A_164, %slice3A_219, %slice3A_220, %slice3A_221 in 1 : vector<256x64xf32>, vector<256x64xf32>, vector<256x64xf32>, vector<256x64xf32>, vector<256x64xf32>, vector<256x64xf32>, vector<256x64xf32>, vector<256x64xf32>, vector<256x64xf32>, vector<256x64xf32>, vector<256x64xf32>, vector<256x64xf32> -> vector<256x768xf32>
    %convert_element_type3A_223 = arith.truncf %concatenate3A_222 : vector<256x768xf32> to vector<256x768xbf16>
    %get3A_224 = arith.constant 0 : index
    %get3A_225 = arith.constant 0 : index
    %get3A_226 = vector.load %arg5[%get3A_224, %get3A_225] : memref<768x768xbf16, #tpu.memory_space<vmem>>, vector<768x768xbf16>
    %dot_general3A_227 = arith.constant dense<0.000000e+00> : vector<256x768xf32>
    %dot_general3A_228 = tpu.matmul %convert_element_type3A_223, %get3A_226, %dot_general3A_227 {dimension_numbers = #tpu.dot_dimension_numbers<[1], [0], [0], [1], [0, 0, 1, 1], [], []>, transpose_lhs_hint = false} : vector<256x768xbf16>, vector<768x768xbf16>, vector<256x768xf32> -> vector<256x768xf32>
    %get3A_229 = arith.constant 0 : index
    %get3A_230 = arith.constant 0 : index
    %get3A_231 = vector.load %arg6[%get3A_229, %get3A_230] : memref<1x768xf32, #tpu.memory_space<vmem>>, vector<1x768xf32>
    %add3A_232 = vector.broadcast %get3A_231 : vector<1x768xf32> to vector<256x768xf32>
    %add3A_233 = arith.addf %dot_general3A_228, %add3A_232 : vector<256x768xf32>
    %get3A_234 = arith.constant 0 : index
    %get3A_235 = arith.constant 0 : index
    %get3A_236 = vector.load %arg4[%get3A_234, %get3A_235] : memref<256x768xf32, #tpu.memory_space<vmem>>, vector<256x768xf32>
    %add3A_237 = arith.addf %add3A_233, %get3A_236 : vector<256x768xf32>
    %swap3A = arith.constant 0 : index
    %swap3A_238 = arith.constant 0 : index
    %swap3A_239 = vector.load %arg15[%swap3A, %swap3A_238] : memref<256x768xf32, #tpu.memory_space<vmem>>, vector<256x768xf32>
    tpu.vector_store %arg15[%swap3A, %swap3A_238], %add3A_237 {strides = array<i32>} : memref<256x768xf32, #tpu.memory_space<vmem>>, vector<256x768xf32>,
    %mul3A_240 = arith.mulf %add3A_237, %add3A_237 : vector<256x768xf32>
    %reduce_sum3A_241 = arith.constant dense<0.000000e+00> : vector<256xf32>
    %reduce_sum3A_242 = vector.multi_reduction <add>, %mul3A_240, %reduce_sum3A_241 [1] : vector<256x768xf32> to vector<256xf32>
    %broadcast_in_dim3A_243 = vector.shape_cast %reduce_sum3A_242 : vector<256xf32> to vector<256x1xf32>
    %div3A_244 = arith.constant 7.680000e+02 : f32
    %div3A_245 = vector.broadcast %div3A_244 : f32 to vector<256x1xf32>
    %div3A_246 = arith.divf %broadcast_in_dim3A_243, %div3A_245 : vector<256x1xf32>
    %add3A_247 = arith.constant 9.99999997E-7 : f32
    %add3A_248 = vector.broadcast %add3A_247 : f32 to vector<256x1xf32>
    %add3A_249 = arith.addf %div3A_246, %add3A_248 : vector<256x1xf32>
    %rsqrt3A = math.rsqrt %add3A_249 : vector<256x1xf32>
    %mul3A_250 = vector.broadcast %rsqrt3A : vector<256x1xf32> to vector<256x768xf32>
    %mul3A_251 = arith.mulf %add3A_237, %mul3A_250 : vector<256x768xf32>
    %get3A_252 = arith.constant 0 : index
    %get3A_253 = arith.constant 0 : index
    %get3A_254 = vector.load %arg7[%get3A_252, %get3A_253] : memref<1x768xf32, #tpu.memory_space<vmem>>, vector<1x768xf32>
    %mul3A_255 = vector.broadcast %get3A_254 : vector<1x768xf32> to vector<256x768xf32>
    %mul3A_256 = arith.mulf %mul3A_251, %mul3A_255 : vector<256x768xf32>
    %convert_element_type3A_257 = arith.truncf %mul3A_256 : vector<256x768xf32> to vector<256x768xbf16>
    %get3A_258 = arith.constant 0 : index
    %get3A_259 = arith.constant 0 : index
    %get3A_260 = vector.load %arg8[%get3A_258, %get3A_259] : memref<768x64xbf16, #tpu.memory_space<vmem>>, vector<768x64xbf16>
    %dot_general3A_261 = arith.constant dense<0.000000e+00> : vector<256x64xf32>
    %dot_general3A_262 = tpu.matmul %convert_element_type3A_257, %get3A_260, %dot_general3A_261 {dimension_numbers = #tpu.dot_dimension_numbers<[1], [0], [0], [1], [0, 0, 1, 1], [], []>, transpose_lhs_hint = false} : vector<256x768xbf16>, vector<768x64xbf16>, vector<256x64xf32> -> vector<256x64xf32>
    %get3A_263 = arith.constant 0 : index
    %get3A_264 = arith.constant 0 : index
    %get3A_265 = vector.load %arg9[%get3A_263, %get3A_264] : memref<1x64xf32, #tpu.memory_space<vmem>>, vector<1x64xf32>
    %add3A_266 = vector.broadcast %get3A_265 : vector<1x64xf32> to vector<256x64xf32>
    %add3A_267 = arith.addf %dot_general3A_262, %add3A_266 : vector<256x64xf32>
    %reduce_max3A_268 = arith.constant dense<0xFF800000> : vector<256xf32>
    %reduce_max3A_269 = vector.multi_reduction <maximumf>, %add3A_267, %reduce_max3A_268 [1] : vector<256x64xf32> to vector<256xf32>
    %broadcast_in_dim3A_270 = vector.shape_cast %reduce_max3A_269 : vector<256xf32> to vector<256x1xf32>
    %ge3A = vector.broadcast %broadcast_in_dim3A_270 : vector<256x1xf32> to vector<256x64xf32>
    %ge3A_271 = arith.cmpf oge, %add3A_267, %ge3A : vector<256x64xf32>
    %jit3A_272 = arith.constant -1.000000e+30 : f32
    %broadcast_in_dim3A_273 = vector.broadcast %jit3A_272 : f32 to vector<256x64xf32>
    %select_n3A_274 = arith.select %ge3A_271, %broadcast_in_dim3A_273, %add3A_267 : vector<256x64xi1>, vector<256x64xf32>
    %reduce_max3A_275 = arith.constant dense<0xFF800000> : vector<256xf32>
    %reduce_max3A_276 = vector.multi_reduction <maximumf>, %select_n3A_274, %reduce_max3A_275 [1] : vector<256x64xf32> to vector<256xf32>
    %broadcast_in_dim3A_277 = vector.shape_cast %reduce_max3A_276 : vector<256xf32> to vector<256x1xf32>
    %sub3A_278 = arith.subf %broadcast_in_dim3A_277, %broadcast_in_dim3A_270 : vector<256x1xf32>
    %exp3A_279 = math.exp %sub3A_278 : vector<256x1xf32>
    %add3A_280 = arith.constant 1.000000e+00 : f32
    %add3A_281 = vector.broadcast %add3A_280 : f32 to vector<256x1xf32>
    %add3A_282 = arith.addf %add3A_281, %exp3A_279 : vector<256x1xf32>
    %div3A_283 = arith.constant 1.000000e+00 : f32
    %div3A_284 = vector.broadcast %div3A_283 : f32 to vector<256x1xf32>
    %div3A_285 = arith.divf %div3A_284, %add3A_282 : vector<256x1xf32>
    %div3A_286 = arith.divf %exp3A_279, %add3A_282 : vector<256x1xf32>
    %add3A_287 = arith.addf %div3A_285, %div3A_286 : vector<256x1xf32>
    %get3A_288 = arith.constant 0 : index
    %get3A_289 = arith.constant 0 : index
    %get3A_290 = vector.load %arg10[%get3A_288, %get3A_289] : memref<768x1536xbf16, #tpu.memory_space<vmem>>, vector<768x1536xbf16>
    %dot_general3A_291 = arith.constant dense<0.000000e+00> : vector<256x1536xf32>
    %dot_general3A_292 = tpu.matmul %convert_element_type3A_257, %get3A_290, %dot_general3A_291 {dimension_numbers = #tpu.dot_dimension_numbers<[1], [0], [0], [1], [0, 0, 1, 1], [], []>, transpose_lhs_hint = false} : vector<256x768xbf16>, vector<768x1536xbf16>, vector<256x1536xf32> -> vector<256x1536xf32>
    %get3A_293 = arith.constant 0 : index
    %get3A_294 = arith.constant 0 : index
    %get3A_295 = vector.load %arg11[%get3A_293, %get3A_294] : memref<1x1536xf32, #tpu.memory_space<vmem>>, vector<1x1536xf32>
    %add3A_296 = vector.broadcast %get3A_295 : vector<1x1536xf32> to vector<256x1536xf32>
    %add3A_297 = arith.addf %dot_general3A_292, %add3A_296 : vector<256x1536xf32>
    %slice3A_298 = vector.extract_strided_slice %add3A_297 {offsets = [0, 0], sizes = [256, 768], strides = [1, 1]} : vector<256x1536xf32> to vector<256x768xf32>
    %slice3A_299 = vector.extract_strided_slice %add3A_297 {offsets = [0, 768], sizes = [256, 768], strides = [1, 1]} : vector<256x1536xf32> to vector<256x768xf32>
    %logistic3A = arith.negf %slice3A_299 : vector<256x768xf32>
    %logistic3A_300 = math.exp %logistic3A : vector<256x768xf32>
    %logistic3A_301 = arith.constant 1.000000e+00 : f32
    %logistic3A_302 = vector.broadcast %logistic3A_301 : f32 to vector<256x768xf32>
    %logistic3A_303 = arith.addf %logistic3A_302, %logistic3A_300 : vector<256x768xf32>
    %logistic3A_304 = arith.divf %logistic3A_302, %logistic3A_303 : vector<256x768xf32>
    %mul3A_305 = arith.mulf %slice3A_299, %logistic3A_304 : vector<256x768xf32>
    %mul3A_306 = arith.mulf %slice3A_298, %mul3A_305 : vector<256x768xf32>
    %convert_element_type3A_307 = arith.truncf %mul3A_306 : vector<256x768xf32> to vector<256x768xbf16>
    %get3A_308 = arith.constant 0 : index
    %get3A_309 = arith.constant 0 : index
    %get3A_310 = vector.load %arg12[%get3A_308, %get3A_309] : memref<768x768xbf16, #tpu.memory_space<vmem>>, vector<768x768xbf16>
    %dot_general3A_311 = arith.constant dense<0.000000e+00> : vector<256x768xf32>
    %dot_general3A_312 = tpu.matmul %convert_element_type3A_307, %get3A_310, %dot_general3A_311 {dimension_numbers = #tpu.dot_dimension_numbers<[1], [0], [0], [1], [0, 0, 1, 1], [], []>, transpose_lhs_hint = false} : vector<256x768xbf16>, vector<768x768xbf16>, vector<256x768xf32> -> vector<256x768xf32>
    %get3A_313 = arith.constant 0 : index
    %get3A_314 = arith.constant 0 : index
    %get3A_315 = vector.load %arg13[%get3A_313, %get3A_314] : memref<1x768xf32, #tpu.memory_space<vmem>>, vector<1x768xf32>
    %add3A_316 = vector.broadcast %get3A_315 : vector<1x768xf32> to vector<256x768xf32>
    %add3A_317 = arith.addf %dot_general3A_312, %add3A_316 : vector<256x768xf32>
    %mul3A_318 = vector.broadcast %add3A_287 : vector<256x1xf32> to vector<256x768xf32>
    %mul3A_319 = arith.mulf %mul3A_318, %add3A_317 : vector<256x768xf32>
    %swap3A_320 = arith.constant 0 : index
    %swap3A_321 = arith.constant 0 : index
    %swap3A_322 = vector.load %arg14[%swap3A_320, %swap3A_321] : memref<256x768xf32, #tpu.memory_space<vmem>>, vector<256x768xf32>
    tpu.vector_store %arg14[%swap3A_320, %swap3A_321], %mul3A_319 {strides = array<i32>} : memref<256x768xf32, #tpu.memory_space<vmem>>, vector<256x768xf32>,
    return
  }
  func.func @transform_0(%arg0: i32) -> (i32, i32) {
    %c0_i32 = arith.constant 0 : i32
    %c0_i32_0 = arith.constant 0 : i32
    return %arg0, %c0_i32 : i32, i32
  }
  func.func @transform_1(%arg0: i32) -> (i32, i32) {
    %c0_i32 = arith.constant 0 : i32
    %c0_i32_0 = arith.constant 0 : i32
    %c0_i32_1 = arith.constant 0 : i32
    return %c0_i32, %c0_i32_0 : i32, i32
  }
  func.func @transform_2(%arg0: i32) -> (i32, i32) {
    %c0_i32 = arith.constant 0 : i32
    %c0_i32_0 = arith.constant 0 : i32
    %c0_i32_1 = arith.constant 0 : i32
    return %c0_i32, %c0_i32_0 : i32, i32
  }
  func.func @transform_3(%arg0: i32) -> (i32, i32) {
    %c0_i32 = arith.constant 0 : i32
    %c0_i32_0 = arith.constant 0 : i32
    return %arg0, %c0_i32 : i32, i32
  }
  func.func @transform_4(%arg0: i32) -> (i32, i32) {
    %c0_i32 = arith.constant 0 : i32
    %c0_i32_0 = arith.constant 0 : i32
    %c0_i32_1 = arith.constant 0 : i32
    return %c0_i32, %c0_i32_0 : i32, i32
  }
  func.func @transform_5(%arg0: i32) -> (i32, i32) {
    %c0_i32 = arith.constant 0 : i32
    %c0_i32_0 = arith.constant 0 : i32
    %c0_i32_1 = arith.constant 0 : i32
    return %c0_i32, %c0_i32_0 : i32, i32
  }
  func.func @transform_6(%arg0: i32) -> (i32, i32) {
    %c0_i32 = arith.constant 0 : i32
    %c0_i32_0 = arith.constant 0 : i32
    %c0_i32_1 = arith.constant 0 : i32
    return %c0_i32, %c0_i32_0 : i32, i32
  }
  func.func @transform_7(%arg0: i32) -> (i32, i32) {
    %c0_i32 = arith.constant 0 : i32
    %c0_i32_0 = arith.constant 0 : i32
    %c0_i32_1 = arith.constant 0 : i32
    return %c0_i32, %c0_i32_0 : i32, i32
  }
  func.func @transform_8(%arg0: i32) -> (i32, i32) {
    %c0_i32 = arith.constant 0 : i32
    %c0_i32_0 = arith.constant 0 : i32
    %c0_i32_1 = arith.constant 0 : i32
    return %c0_i32, %c0_i32_0 : i32, i32
  }
  func.func @transform_9(%arg0: i32) -> (i32, i32) {
    %c0_i32 = arith.constant 0 : i32
    %c0_i32_0 = arith.constant 0 : i32
    %c0_i32_1 = arith.constant 0 : i32
    return %c0_i32, %c0_i32_0 : i32, i32
  }
  func.func @transform_10(%arg0: i32) -> (i32, i32) {
    %c0_i32 = arith.constant 0 : i32
    %c0_i32_0 = arith.constant 0 : i32
    %c0_i32_1 = arith.constant 0 : i32
    return %c0_i32, %c0_i32_0 : i32, i32
  }
  func.func @transform_11(%arg0: i32) -> (i32, i32) {
    %c0_i32 = arith.constant 0 : i32
    %c0_i32_0 = arith.constant 0 : i32
    %c0_i32_1 = arith.constant 0 : i32
    return %c0_i32, %c0_i32_0 : i32, i32
  }
  func.func @transform_12(%arg0: i32) -> (i32, i32) {
    %c0_i32 = arith.constant 0 : i32
    %c0_i32_0 = arith.constant 0 : i32
    %c0_i32_1 = arith.constant 0 : i32
    return %c0_i32, %c0_i32_0 : i32, i32
  }
  func.func @transform_13(%arg0: i32) -> (i32, i32) {
    %c0_i32 = arith.constant 0 : i32
    %c0_i32_0 = arith.constant 0 : i32
    return %arg0, %c0_i32 : i32, i32
  }
  func.func @transform_14(%arg0: i32) -> (i32, i32) {
    %c0_i32 = arith.constant 0 : i32
    %c0_i32_0 = arith.constant 0 : i32
    return %arg0, %c0_i32 : i32, i32
  }
}

</mosaic_0001>

<sc_bundles>
// kernel: gather_offload_async_start
scs
__scs_entry_jumppad:
0x0: {  	(pc) =	sbr.rel $0x88, $3  }
0x1: {  	(tag) =	ssettag $0x0;
	lr =	simm.s32 $0x1  }
0x2: {  	[smem:$0x3F92] =	sst lr;
	_ =	strace $0xD0000000  }
0x3: {  	_ = 	snop  }
0x4: {  	_ = 	snop  }
0x5: {  	_ = 	snop  }
0x6: {  	_ = 	snop  }
0x7: {  	_ = 	snop  }
__scs_overlays_trampoline_lowered:
0x8: {  	[smem:$0x3FA1] =	sst s0  }
0x9: {  	[smem:$0x3FA2] =	sst s1  }
0xa: {  	[smem:$0x3FA3] =	sst s2  }
0xb: {  	[smem:$0x3FA4] =	sst s3  }
0xc: {  	[smem:$0x3FA5] =	sst s4  }
0xd: {  	[smem:$0x3FA6] =	sst s5  }
0xe: {  	[smem:$0x3FA7] =	sst s6  }
0xf: {  	[smem:$0x3FA8] =	sst s7  }
0x10: {  	[smem:$0x3FA9] =	sst s8  }
0x11: {  	[smem:$0x3FAA] =	sst s9;
	s0 =	simm.s32 @!p0 $0x0  }
0x12: {  	s1 =	sld [smem:$0x3F90];
	s0 =	simm.s32 @p0 $0x1  }
0x13: {  	[smem:$0x3FAB] =	sst s0;
	s0 =	simm.s32 @!p1 $0x0  }
0x14: {  	s2 =	sld [smem:$0x3F8F];
	s0 =	simm.s32 @p1 $0x1  }
0x15: {  	[smem:$0x3FAC] =	sst s0;
	s0 =	simm.s32 @!p2 $0x0  }
0x16: {  	s3 =	sld [smem:$0x3FDB];
	s0 =	simm.s32 @p2 $0x1  }
0x17: {  	s4 =	simm.s32 $0x1BF5;
	[smem:$0x3FAE] =	sst s0  }
0x18: {  	s0 =	sld [smem:$0x3F91];
	_ =	swait.ge [sflag:s4], $0x0  }
0x19: {  	s7 =	sld [smem:$0x3F92]  }
0x1a: {  	s8 =	sadd.s32 $0xFFFFE003, lr  }
0x1b: {  	s9 =	sadd.s32 $0xFFFFFEF7, lr;
	s5 =	simm.s32 $0xFFFFFFFF;
	p2 =	slt.u32 s8, $0xFFFFF086  }
0x1c: {  	p1 =	slt.u32 s9, $0xF7A;
	s5 =	simm.s32 @!p2 $0x0  }
0x1d: {  	s5 =	simm.s32 @p1 $0x1;
	p0 =	seq.s32 s7, s2  }
0x1e: {  	s7 =	smul.u32 @!p0 $0xF7A, s2;
	p2 =	seq.s32 @!p0 s5, $0x0  }
0x1f: {  	s9 =	smul.u32 $0xF7A, s1;
	s8 =	simm.s32 @!p0 $0x1BF5;
	p2 =	por !p2, p0  }
0x20: {  	[sflag:s8] =	ssyncset.s32 @!p0 $0xFFFFF086;
	s6 =	sadd.s32 @!p0 s3, s7;
	s7 =	simm.s32 @!p0 $0x108  }
0x21: {  	s3 =	sadd.s32 s3, s9;
	s6 =	sadd.s32 @!p0 $0x88, s6;
	s7 =	simm.s32 @p2 $0x1082  }
0x22: {  	[simem:s7], [sflag:s8] =	dma.local @!p0 [hbm:s6], $0xF7A  }
0x23: {  	s9 =	sor.u32 $0xD0000000, s2;
	s6 =	simm.s32 $0x108;
	_ =	swait.ge @!p0 [sflag:s8], $0x0  }
0x24: {  	s3 =	sadd.s32 $0x88, s3;
	s6 =	simm.s32 @!p1 $0x1082;
	[sflag:s4] =	ssyncset.s32 $0xFFFFF086  }
0x25: {  	[simem:s6], [sflag:s4] =	dma.local [hbm:s3], $0xF7A  }
0x26: {  	[smem:$0x3F92] =	sst s1;
	(tag) =	ssettag s2;
	_ =	strace s9  }
0x27: {  	s1 =	sld [smem:$0x3FA2]  }
0x28: {  	s2 =	sld [smem:$0x3FA3]  }
0x29: {  	s4 =	sld [smem:$0x3FA5]  }
0x2a: {  	p0 =	seq.s32 s5, $0x0;
	s5 =	sld [smem:$0x3FA6]  }
0x2b: {  	s6 =	sld [smem:$0x3FA7]  }
0x2c: {  	s7 =	sld [smem:$0x3FA8]  }
0x2d: {  	s3 =	simm.s32 $0x108;
	s8 =	sld [smem:$0x3FA9]  }
0x2e: {  	s3 =	simm.s32 @!p0 $0x1082;
	s9 =	sld [smem:$0x3FAA]  }
0x2f: {  	lr =	sadd.s32 s0, s3;
	s0 =	sld [smem:$0x3FA1]  }
0x30: {  	s3 =	sld [smem:$0x3FA4]  }
0x31: {  	[smem:$0x3FAD] =	sst s10  }
0x32: {  	s10 =	sld [smem:$0x3FAB];
	_ =	sdelay $0x3  }
0x33: {  	p0 =	seq.s32 s10, $0x1;
	s10 =	sld [smem:$0x3FAD];
	_ =	sdelay $0x3  }
0x34: {  	[smem:$0x3FAD] =	sst s10  }
0x35: {  	s10 =	sld [smem:$0x3FAC];
	_ =	sdelay $0x3  }
0x36: {  	p1 =	seq.s32 s10, $0x1;
	s10 =	sld [smem:$0x3FAD];
	_ =	sdelay $0x3  }
0x37: {  	[smem:$0x3FAD] =	sst s10  }
0x38: {  	s10 =	sld [smem:$0x3FAE]  }
0x39: {  	_ = 	snop;
	(pc) =	sbr.ind lr, $3  }
0x3a: {  	_ = 	snop  }
0x3b: {  	_ = 	snop  }
0x3c: {  	p2 =	seq.s32 s10, $0x1;
	s10 =	sld [smem:$0x3FAD]  }
0x3d: {  	_ =	shalt  }
0x3e: {  	_ =	shalt  }
0x3f: {  	_ =	shalt  }
0x40: {  	_ =	shalt  }
0x41: {  	_ =	shalt  }
0x42: {  	_ =	shalt  }
0x43: {  	_ =	shalt  }
0x44: {  	_ =	shalt  }
0x45: {  	_ =	shalt  }
0x46: {  	_ =	shalt  }
0x47: {  	_ =	shalt  }
0x48: {  	_ =	shalt  }
0x49: {  	_ =	shalt  }
0x4a: {  	_ =	shalt  }
0x4b: {  	_ =	shalt  }
0x4c: {  	_ =	shalt  }
0x4d: {  	_ =	shalt  }
0x4e: {  	_ =	shalt  }
0x4f: {  	_ =	shalt  }
0x50: {  	_ =	shalt  }
0x51: {  	_ =	shalt  }
0x52: {  	_ =	shalt  }
0x53: {  	_ =	shalt  }
0x54: {  	_ =	shalt  }
0x55: {  	_ =	shalt  }
0x56: {  	_ =	shalt  }
0x57: {  	_ =	shalt  }
0x58: {  	_ =	shalt  }
0x59: {  	_ =	shalt  }
0x5a: {  	_ =	shalt  }
0x5b: {  	_ =	shalt  }
0x5c: {  	_ =	shalt  }
0x5d: {  	_ =	shalt  }
0x5e: {  	_ =	shalt  }
0x5f: {  	_ =	shalt  }
0x60: {  	_ =	shalt  }
0x61: {  	_ =	shalt  }
0x62: {  	_ =	shalt  }
0x63: {  	_ =	shalt  }
0x64: {  	_ =	shalt  }
0x65: {  	_ =	shalt  }
0x66: {  	_ =	shalt  }
0x67: {  	_ =	shalt  }
0x68: {  	_ =	shalt  }
0x69: {  	_ =	shalt  }
0x6a: {  	_ =	shalt  }
0x6b: {  	_ =	shalt  }
0x6c: {  	_ =	shalt  }
0x6d: {  	_ =	shalt  }
0x6e: {  	_ =	shalt  }
0x6f: {  	_ =	shalt  }
0x70: {  	_ =	shalt  }
0x71: {  	_ =	shalt  }
0x72: {  	_ =	shalt  }
0x73: {  	_ =	shalt  }
0x74: {  	_ =	shalt  }
0x75: {  	_ =	shalt  }
0x76: {  	_ =	shalt  }
0x77: {  	_ =	shalt  }
0x78: {  	_ =	shalt  }
0x79: {  	_ =	shalt  }
0x7a: {  	_ =	shalt  }
0x7b: {  	_ =	shalt  }
0x7c: {  	_ =	shalt  }
0x7d: {  	_ =	shalt  }
0x7e: {  	_ =	shalt  }
0x7f: {  	_ =	shalt  }
0x80: {  	_ =	shalt  }
0x81: {  	_ =	shalt  }
0x82: {  	_ =	shalt  }
0x83: {  	_ =	shalt  }
0x84: {  	_ =	shalt  }
0x85: {  	_ =	shalt  }
0x86: {  	_ =	shalt  }
0x87: {  	_ =	shalt  }
.Lfunc_end0:
.L_simem_size_0:
called_computation_lowered:
.L_overlay_start_0:
0x88: {  	s2 =	sld [smem:$0x3FD9]  }
0x89: {  	s3 =	sld [smem:$0x3FFE];
	_ =	sdelay $0x1  }
0x8a: {  	s1 =	srdreg.scid  }
0x8b: {  	s0 =	sand.u32 $0x1, s1  }
0x8c: {  	s15 =	sshll.u32 s0, $0xA;
	s2 =	sadd.s32 s3, s2  }
0x8d: {  	s2 =	sadd.s32 s2, s15  }
0x8e: {  	[smem:$0x3FB9] =	sst s2  }
0x8f: {  	_ = 	snop  }
0x90: {  	s2 =	sld [smem:$0x3FD0];
	_ =	sdelay $0x2  }
0x91: {  	s4 =	simm.s32 $0xA;
	s5 =	simm.s32 $0x10;
	s16 =	sld [smem:$0x3FC5]  }
0x92: {  	[smem:s5], [sflag:s4] =	dma.local [hbm:s2], $0x1  }
0x93: {  	_ =	swait.eq [sflag:s4], $0x1  }
0x94: {  	[sflag:s4] =	ssyncset.done $0x0  }
0x95: {  	s17 =	sld [smem:$0x10];
	[sflag:s4] =	ssyncadd.s32 $0xFFFFFFFF  }
0x96: {  	s18 =	sld [smem:$0x11];
	(tm) =	ssettm $0x1  }
0x97: {  	s19 =	sld [smem:$0x3FFB];
	_ =	sdelay $0x3  }
0x98: {  	_ =	strace s19  }
0x99: {  	s5 =	sld [smem:$0x3FFC];
	_ =	sdelay $0x3  }
0x9a: {  	_ =	strace s5  }
0x9b: {  	s5 =	sld [smem:$0x3FFD];
	_ =	sdelay $0x3  }
0x9c: {  	_ =	strace s5  }
0x9d: {  	_ =	strace $0x8FFFFFFF  }
0x9e: {  	s20 =	sld [smem:$0x3FDB];
	_ =	sdelay $0x1  }
0x9f: {  	s6 =	simm.s32 $_scs_section_size  }
0xa0: {  	s7 =	simm.s32 $_size__tile_overlayer_lowered;
	s8 =	simm.s32 $_tile_overlayer_lowered  }
0xa1: {  	s23 =	simm.s32 $0x1BFF;
	s22 =	sshll.u32 s8, $0x1;
	s5 =	sadd.s32 s6, s20  }
0xa2: {  	s9 =	simm.s32 $0x0;
	s21 =	sshll.u32 s7, $0x1;
	s7 =	sadd.s32 s22, s5  }
0xa3: {  	[timem:s9], [sflag:s23] =	dma.local [hbm:s7], s21  }
0xa4: {  	_ =	swait.ge [sflag:s23], s21  }
0xa5: {  	s6 =	ssub.s32 $0x0, s21;
	[sflag:s23] =	ssyncset.done $0x0  }
0xa6: {  	[sflag:s23] =	ssyncadd.s32 s6;
	_ =	sdelay $0x1  }
0xa7: {  	s24 =	simm.s32 $0x1B8B  }
0xa8: {  	_ =	swait.ge [sflag:s24], $0x1  }
0xa9: {  	[sflag:s24] =	ssyncset.done $0x0  }
0xaa: {  	s25 =	simm.s32 $0x1B8E;
	[sflag:s24] =	ssyncadd.s32 $0xFFFFFFFF  }
0xab: {  	s26 =	simm.s32 $execute0_lowered;
	[smem:$0x3FD2] =	sst s25  }
0xac: {  	s6 =	sshll.u32 s26, $0x1;
	_ =	strace $0x80000046;
	[dreg:$0x1] =	wrdreg $0xFFFFFFFF  }
0xad: {  	s28 =	simm.s32 $_size_execute0_lowered;
	s5 =	sadd.s32 s5, s6;
	[dreg:$0x0] =	wrdreg $0x0  }
0xae: {  	s6 =	sshll.u32 s28, $0x1;
	[dreg:$0x2] =	wrdreg s5  }
0xaf: {  	[dreg:$0x3] =	wrdreg s6  }
0xb0: {  	[dreg:$0x4] =	wrdreg $0xC0  }
0xb1: {  	_ =	task [dreg:s9], $0x5FFFF  }
0xb2: {  	[dreg:$0x1] =	wrdreg $0xFFFFFFFF  }
0xb3: {  	[dreg:$0x0] =	wrdreg $0x60  }
0xb4: {  	[dreg:$0x2] =	wrdreg s16  }
0xb5: {  	[dreg:$0x3] =	wrdreg s18  }
0xb6: {  	[dreg:$0x4] =	wrdreg s17  }
0xb7: {  	[dreg:$0x5] =	wrdreg $0x9  }
0xb8: {  	_ =	task.clear_ibuf [dreg:s9], $0x6FFFF;
	_ =	strace $0x90000046  }
0xb9: {  	s29 =	simm.s32 $0x9;
	_ =	strace $0x80000048  }
0xba: {  	_ =	swait.ge [sflag:s29], $0x1  }
0xbb: {  	[sflag:s29] =	ssyncadd.s32 $0xFFFFFFFF  }
0xbc: {  	_ =	strace $0x90000048  }
0xbd: {  	_ =	sfence  }
0xbe: {  	s30 =	sld [smem:$0x0];
	_ =	sdelay $0x2  }
0xbf: {  	s31 =	sshll.u32 s1, $0xD;
	s1 =	sshrl.u32 s1, $0x2  }
0xc0: {  	s3 =	sand.u32 $0x4000, s31;
	s1 =	sadd.s32 s1, s30  }
0xc1: {  	s0 =	sor.u32 s3, s0;
	s1 =	sshll.u32 s1, $0x11  }
0xc2: {  	s0 =	sor.u32 s1, s0  }
0xc3: {  	s0 =	sadd.s32 $0x8F2B, s0  }
0xc4: {  	[sflag:s0] =	ssyncadd.remote.s32 $0x1  }
0xc5: {  	_ =	sfence.sel $0xFFFF  }
0xc6: {  	[dreg:$0x0] =	wrdreg $0xFFFFFFFF;
	(pc) =	sbr.abs _section_cstart, $3  }
0xc7: {  	[dreg:$0x1] =	wrdreg $0xFFFFFFFF  }
0xc8: {  	_ =	task.clear_ibuf [dreg:s9], $0x2FFFF;
	_ =	strace $0x9FFFFFFF  }
0xc9: {  	(tm) =	ssettm $0x7FFFFFFF  }
tec
execute0_lowered:
.L_overlay_start_1:
0x0: {  	(tag) =	ssettag $0x1  }
0x1: {  	s1 =	srdreg.scid  }
0x2: {  	s2 =	rddreg [dreg:$0x0];
	s0 =	stileid.u32;
	s1 =	sshll.u32 s1, $0x5  }
0x3: {  	s3 =	rddreg [dreg:$0x1];
	s5 =	sshll.u32 s0, $0x6;
	s1 =	sand.u32 $0x20, s1  }
0x4: {  	s4 =	rddreg [dreg:$0x2];
	s7 =	simm.s32 $0x1;
	s5 =	sor.u32 s5, s1  }
0x5: {  	s30 =	simm.s32 $0x2;
	s31 =	simm.s32 $0x3;
	s6 =	ssub.s32 $0x500, s5  }
0x6: {  	s11 =	simm.s32 $0x0;
	s9 =	simm.s32 $0x0;
	s8 =	sand.u32 $0x3E0, s6  }
0x7: {  	s1 =	rddreg [dreg:$0x3];
	_ =	strace $0x80000047;
	p0 =	sne.s32 s8, $0x0  }
0x8: {  	[sflag:s7] =	ssyncpa.u1 $0x0;
	s6 =	sshrl.u32 s6, $0xA;
	s7 =	simm.s32 @!p0 $0x0  }
0x9: {  	s10 =	smov.u32 s5;
	[sflag:s30] =	ssyncpa.u1 $0x0;
	s6 =	sadd.s32 s7, s6  }
0xa: {  	[sflag:s31] =	ssyncpa.u1 $0x0;
	s8 =	simm.s32 $0x0;
	s7 =	sadd.s32 $0x1, s6  }
.LBB2_1:
0xb: {  	p0 =	sge.u32 s9, s6  }
0xc: {  	s31 =	sadd.s32 $0xFFFFFFFF, s9;
	s12 =	sxor.u32 @!p0 $0xFFFFFFFF, s8;
	s13 =	sshrl.u32 @!p0 s10, $0x3  }
0xd: {  	s14 =	sand.u32 @!p0 $0x7, s10;
	s12 =	sand.u32 @!p0 $0x20, s12;
	s13 =	sadd.s32 @!p0 s3, s13  }
0xe: {  	[tilespmem:s12], [sflag:$0x2] =	stream.linear.gather @!p0 [hbm4b:s13+s14], $0x20, $0x38;
	[tilespmem:$0x80] =	vst v63  }
0xf: {  	p0 =	sge.u32 s31, s6  }
0x10: {  	s12 =	simm.s32 @!p0 $0x2  }
0x11: {  	_ =	swait.ge @!p0 [sflag:s12], $0x20  }
0x12: {  	[sflag:s12] =	ssyncset.done @!p0 $0x0  }
0x13: {  	[sflag:s12] =	ssyncadd.s32 @!p0 $0xFFFFFFE0;
	s12 =	sand.u32 @!p0 $0x20, s8  }
0x14: {  	(ifvalue) =	ssetifvalue @!p0 $0x7FFFFFFF;
	v0 =	vld.msk @!p0 [tilespmem:s12+$0x0 ss:$0x1], $0xffff;
	_ =	sdelay $0x4  }
0x15: {  	vm0 =	vgt.s32 @!p0 v0, $0x0  }
0x16: {  	v0 =	vnsel @!p0 vm0, $0x0, v0  }
0x17: {  	v0 =	vmin.u32 @!p0 v0, $0x4FF;
	_ =	sdelay $0x2  }
0x18: {  	s14 =	simm.s32 @!p0 $0x0  }
0x19: {  	s13 =	sor.u32 @!p0 $0x40, s12;
	(ifvalue) =	ssetifvalue @!p0 $0x7FFFFFFF;
	s15 =	sor.u32 @!p0 $0x10, s12;
	vm0 =	vmmov @!p0 $0xffff  }
0x1a: {  	[tilespmem:s13], [sflag:$0x1] =	stream.indirect_vreg.gather @!p0 [hbm4b:s2+s14], $0x1, v0, vm0, $0x4038;
	[tilespmem:$0x80] =	vst v63  }
0x1b: {  	v0 =	vld.msk @!p0 [tilespmem:s15+$0x0 ss:$0x1], $0xffff;
	_ =	sdelay $0x4  }
0x1c: {  	vm1 =	vgt.s32 @!p0 v0, $0x0  }
0x1d: {  	v0 =	vnsel @!p0 vm1, $0x0, v0  }
0x1e: {  	v0 =	vmin.u32 @!p0 v0, $0x4FF;
	_ =	sdelay $0x3  }
0x1f: {  	s12 =	sor.u32 @!p0 $0x50, s12;
	(ifvalue) =	ssetifvalue @!p0 $0x7FFFFFFF  }
0x20: {  	[tilespmem:s12], [sflag:$0x1] =	stream.indirect_vreg.gather @!p0 [hbm4b:s2+s14], $0x1, v0, vm0, $0x4038;
	[tilespmem:$0x80] =	vst v63  }
0x21: {  	s12 =	simm.s32 @!p0 $0x1  }
0x22: {  	_ =	swait.ge @!p0 [sflag:s12], $0x20  }
0x23: {  	s14 =	sshrl.u32 @!p0 s11, $0x3;
	[sflag:s12] =	ssyncset.done @!p0 $0x0  }
0x24: {  	s11 =	sand.u32 @!p0 $0x7, s11;
	[sflag:s12] =	ssyncadd.s32 @!p0 $0xFFFFFFE0;
	s12 =	sadd.s32 @!p0 s4, s14  }
0x25: {  	[hbm4b:s12+s11] =	stream.linear.scatter @!p0 [tilespmem:s13], [sflag:$0x3], $0x20, $0x38;
	[tilespmem:$0x80] =	vst v63  }
0x26: {  	s13 =	sadd.s32 $0x400, s10  }
0x27: {  	p1 =	sgt.s32 s13, $0x4FF  }
0x28: {  	s13 =	smov.u32 @p1 s5;
	p1 =	sne.s32 s9, s7  }
.Ltmp0:
0x29: {  	p0 =	slt.u32 s9, $0x2;
	(pc) =	sbr.rel @p1 .LBB2_1-.Ltmp0, $4  }
0x2a: {  	s12 =	simm.s32 @!p0 $0x3  }
0x2b: {  	_ =	swait.ge @!p0 [sflag:s12], $0x20  }
0x2c: {  	s8 =	sadd.s32 $0x20, s8;
	s11 =	smov.u32 s10;
	[sflag:s12] =	ssyncset.done @!p0 $0x0  }
0x2d: {  	s9 =	sadd.s32 $0x1, s9;
	s10 =	smov.u32 s13;
	[sflag:s12] =	ssyncadd.s32 @!p0 $0xFFFFFFE0  }
0x2e: {  	_ =	sfence.sel $0x180000  }
0x2f: {  	s2 =	simm.s32 $0x2;
	[bflag:$0x0] =	sbarrier.arrive $0xFFFF  }
0x30: {  	s30 =	simm.s32 $0x3;
	[sflag:s2] =	ssyncpa.u1 $0x1  }
0x31: {  	s31 =	simm.s32 $0x1;
	[sflag:s30] =	ssyncpa.u1 $0x1  }
0x32: {  	[sflag:s31] =	ssyncpa.u1 $0x1  }
0x33: {  	p0 =	sne.s32 s0, $0x0;
	_ =	strace $0x90000047  }
0x34: {  	s0 =	sadd.s32 @!p0 $0x100000, s1;
	[bflag:$0x2] =	sbarrier.arrive $0xFFFF  }
0x35: {  	[sflag:s0] =	ssyncadd.tile.s32 @!p0 $0x1;
	_ =	shalt  }
.Lfunc_end2:
_tile_overlayer_lowered:
.L_overlay_start_2:
0x36: {  	(tag) =	ssettag $0x2  }
0x37: {  	s0 =	rddreg [dreg:$0x0];
	s2 =	stileid.u32  }
0x38: {  	s1 =	rddreg [dreg:$0x1];
	p0 =	sne.s32 s2, $0x0  }
0x39: {  	s3 =	rddreg [dreg:$0x2];
	[bflag:$0x3] =	sbarrier.arrive $0xFFFF;
	s2 =	simm.s32 @!p0 $0x1C01  }
0x3a: {  	[timem:s3], [sflag:s2] =	dma.local @!p0 [hbm:s0], s1  }
0x3b: {  	s0 =	simm.s32 @!p0 $0x1  }
0x3c: {  	_ =	swait.ge @!p0 [sflag:s0], s1  }
0x3d: {  	s1 =	ssub.s32 @!p0 $0x0, s1;
	[sflag:s0] =	ssyncset.done @!p0 $0x0  }
0x3e: {  	[sflag:s0] =	ssyncadd.s32 @!p0 s1  }
0x3f: {  	[bflag:$0x3] =	sbarrier.arrive $0xFFFF  }
0x40: {  	_ =	shalt  }

</sc_bundles>
